<compile_context>
chip_gen: v7x
topology: tpu7x:2x2x1
jax: 0.10.2.dev20260603
libtpu: 0.0.44.dev20260713+nightly
codegen_flags: <defaults>
</compile_context>

<pallas_src>
import jax
import jax.numpy as jnp
from jax.experimental import pallas as pl
from jax.experimental.pallas import tpu as pltpu
from jax.experimental.pallas import tpu_sc as plsc

_K = 20
_ROWS = 128
_COLS = 32768
_CHUNK = 128
_NCHUNK = _COLS // _CHUNK
_NCAND = _ROWS * _K
_W = 80
_BLOCK_A = 16

_NEG = -1e30
_POS = 1e30


def _bce(x, t):
    return jnp.maximum(x, 0.0) - x * t + jax.nn.softplus(-jnp.abs(x))


def _stage_a_body(inp_ref, tgt_ref, bt_ref, ids_ref, cmax_ref):
    blk = pl.program_id(0)
    bce = _bce(inp_ref[...], tgt_ref[...])
    cm = jnp.max(bce.reshape(_BLOCK_A, _NCHUNK, _CHUNK), axis=2)
    cmax_ref[pl.ds(blk * _BLOCK_A, _BLOCK_A), :] = cm
    bt_ref[...] = bce.reshape(_BLOCK_A * _NCHUNK, _CHUNK)

    @pl.when(blk == _ROWS // _BLOCK_A - 1)
    def _():
        full = cmax_ref[...]
        col = jax.lax.broadcasted_iota(jnp.int32, (_ROWS, _NCHUNK), 1)
        sel = jnp.zeros((_ROWS, _NCHUNK), dtype=jnp.bool_)
        ids = []
        for _ in range(_K):
            m = jnp.max(jnp.where(sel, _NEG, full), axis=1, keepdims=True)
            cand = jnp.where(
                jnp.logical_and(full == m, jnp.logical_not(sel)), col, _NCHUNK
            )
            idx = jnp.min(cand, axis=1, keepdims=True)
            sel = jnp.logical_or(sel, col == idx)
            ids.append(idx)
        ids = jnp.concatenate(ids, axis=1)
        row = jax.lax.broadcasted_iota(jnp.int32, (_ROWS, 1), 0)
        ids_ref[...] = ids + row * _NCHUNK


def _bce_table_and_ids(inputs, targets):
    return pl.pallas_call(
        _stage_a_body,
        grid=(_ROWS // _BLOCK_A,),
        in_specs=[
            pl.BlockSpec((_BLOCK_A, _COLS), lambda i: (i, 0)),
            pl.BlockSpec((_BLOCK_A, _COLS), lambda i: (i, 0)),
        ],
        out_specs=[
            pl.BlockSpec((_BLOCK_A * _NCHUNK, _CHUNK), lambda i: (i, 0)),
            pl.BlockSpec((_ROWS, _K), lambda i: (0, 0)),
        ],
        out_shape=[
            jax.ShapeDtypeStruct((_ROWS * _NCHUNK, _CHUNK), jnp.float32),
            jax.ShapeDtypeStruct((_ROWS, _K), jnp.int32),
        ],
        scratch_shapes=[pltpu.VMEM((_ROWS, _NCHUNK), jnp.float32)],
    )(inputs, targets)


def _sc_gather(tab_bce, ids):
    mesh = plsc.VectorSubcoreMesh(core_axis_name="c", subcore_axis_name="s")
    out_t = jax.ShapeDtypeStruct((_NCAND, _CHUNK), jnp.float32)

    @pl.kernel(out_type=out_t, mesh=mesh)
    def gather_kernel(bce_hbm, ids_hbm, o_hbm):
        def body(i_vmem, o):
            pltpu.sync_copy(bce_hbm.at[i_vmem.at[0]], o)

        pltpu.emit_pipeline(
            body,
            grid=(_NCAND // _W,),
            in_specs=[pl.BlockSpec((1, _W), lambda i: (i, 0))],
            out_specs=[pl.BlockSpec((_W, _CHUNK), lambda i: (i, 0))],
            core_axis_name=("c", "s"),
            dimension_semantics=(pltpu.PARALLEL,),
        )(ids_hbm, o_hbm)

    return gather_kernel(tab_bce, ids)


def _topk_sum_rows(bce):
    r = bce.shape[0]
    cur = jnp.full((r, 1), _POS, dtype=jnp.float32)
    tk = jnp.full((r, 1), _NEG, dtype=jnp.float32)
    found = jnp.zeros((r, 1), dtype=jnp.bool_)
    for _ in range(_K):
        masked = jnp.where(bce < cur, bce, _NEG)
        nxt = jnp.max(masked, axis=1, keepdims=True)
        cnt = jnp.sum((bce >= nxt).astype(jnp.float32), axis=1, keepdims=True)
        newly = jnp.logical_and(cnt >= _K, jnp.logical_not(found))
        tk = jnp.where(newly, nxt, tk)
        found = jnp.logical_or(found, newly)
        cur = jnp.where(found, cur, nxt)
    gt = bce > tk
    sum_gt = jnp.sum(jnp.where(gt, bce, 0.0), axis=1, keepdims=True)
    cnt_gt = jnp.sum(gt.astype(jnp.float32), axis=1, keepdims=True)
    return sum_gt + (_K - cnt_gt) * tk


def _stage_c_body(gb_ref, out_ref):
    bce = gb_ref[...].reshape(_ROWS, _K * _CHUNK)
    total = jnp.sum(_topk_sum_rows(bce)) * (1.0 / (_ROWS * _K))
    out_ref[...] = jnp.reshape(total, (1, 1))


def _final_reduce(gb):
    return pl.pallas_call(
        _stage_c_body,
        out_shape=jax.ShapeDtypeStruct((1, 1), jnp.float32),
    )(gb)


def kernel(inputs, targets):
    tab_bce, ids = _bce_table_and_ids(inputs, targets)
    flat_ids = ids.reshape(_NCAND // _W, _W)
    gb = _sc_gather(tab_bce, flat_ids)
    return _final_reduce(gb)[0, 0]

# --- scband reference (transcript-rebuilt; emitter-appended) ---
"""Pipeline reference for scband-bcetop-kloss-24455543783571 (READ-ONLY COPY).

The authoritative reference and input builder live on the scoring server;
editing this copy changes nothing except your own understanding.
"""

import jax, jax.numpy as jnp
import numpy as np

K = 20

def setup_inputs(seed: int = 0) -> dict:
    key = jax.random.key(seed)
    k1, k2 = jax.random.split(key)
    inputs = jax.random.normal(k1, (128, 32768), dtype=jnp.float32)
    targets = jax.random.uniform(k2, (128, 32768), dtype=jnp.float32)
    return {"inputs": inputs, "targets": targets}

def reference(inputs, targets):
    # binary_cross_entropy_with_logits, reduction='none' (numerically stable form, matches torch)
    bce = jnp.maximum(inputs, 0.0) - inputs * targets + jax.nn.softplus(-jnp.abs(inputs))
    bce_reshaped = bce.reshape(bce.shape[0], -1)
    topk_values, _ = jax.lax.top_k(bce_reshaped, K)
    return jnp.mean(topk_values)

if __name__ == "__main__":
    import jax
    _d = setup_inputs()
    print(jax.jit(kernel)(*tuple(_d.values())))

</pallas_src>

<mosaic_0001>
#map = affine_map<(d0, d1) -> (0, 0)>
module attributes {stable_mosaic.version = 14 : i64} {
  func.func @gather_kernel(%arg0: i32, %arg1: i32, %arg2: memref<32768x128xf32, #tpu.memory_space<hbm>>, %arg3: memref<32x80xi32, #tpu.memory_space<hbm>>, %arg4: memref<2560x128xf32, #tpu.memory_space<hbm>>) attributes {dimension_semantics = [#tpu.dimension_semantics<core_parallel>, #tpu.dimension_semantics<subcore_parallel>], iteration_bounds = array<i64: 2, 16>, scalar_prefetch = 0 : i64, scratch_operands = 0 : i64, tpu.core_type = #tpu.core_type<sc_vector_subcore>, window_params = [{transform_indices = #map}, {transform_indices = #map}, {transform_indices = #map}]} {
    %mul3A = arith.constant 1 : i32
    %mul3A_0 = arith.muli %arg1, %mul3A : i32
    %add3A = arith.constant 0 : i32
    %add3A_1 = arith.addi %add3A, %mul3A_0 : i32
    %mul3A_2 = arith.constant 16 : i32
    %mul3A_3 = arith.muli %arg0, %mul3A_2 : i32
    %add3A_4 = arith.addi %add3A_1, %mul3A_3 : i32
    %mul3A_5 = arith.constant 1 : i32
    %mul3A_6 = arith.muli %add3A_4, %mul3A_5 : i32
    "tpu.region"() ({
      %run_scoped3A = memref.alloca() : memref<2x1x80xi32, #tpu.memory_space<vmem>>
      %run_scoped3A_7 = tpu.sem_alloc : memref<2x!tpu.dma_semaphore, #tpu.memory_space<semaphore_mem>>
      %run_scoped3A_8 = memref.alloca() : memref<2x80x128xf32, #tpu.memory_space<vmem>>
      %run_scoped3A_9 = tpu.sem_alloc : memref<2x!tpu.dma_semaphore, #tpu.memory_space<semaphore_mem>>
      %add3A_10 = arith.constant 0 : i32
      %add3A_11 = arith.addi %add3A_10, %mul3A_6 : i32
      %select_n3A = arith.constant true
      %select_n3A_12 = arith.constant 0 : i32
      %select_n3A_13 = arith.constant -1 : i32
      %select_n3A_14 = arith.select %select_n3A, %select_n3A_13, %select_n3A_12 : i32
      %eq3A = arith.constant -1 : i32
      %eq3A_15 = arith.cmpi eq, %select_n3A_14, %eq3A : i32
      %select_n3A_16 = arith.constant 0 : i32
      %select_n3A_17 = arith.select %eq3A_15, %select_n3A_16, %select_n3A_14 : i32
      %add3A_18 = arith.constant 0 : i32
      %add3A_19 = arith.addi %add3A_18, %mul3A_6 : i32
      %select_n3A_20 = arith.constant true
      %select_n3A_21 = arith.constant 0 : i32
      %select_n3A_22 = arith.constant 1 : i32
      %select_n3A_23 = arith.select %select_n3A_20, %select_n3A_22, %select_n3A_21 : i32
      %eq3A_24 = arith.constant 1 : i32
      %eq3A_25 = arith.cmpi eq, %select_n3A_23, %eq3A_24 : i32
      %select_n3A_26 = arith.constant 0 : i32
      %select_n3A_27 = arith.select %eq3A_25, %select_n3A_26, %select_n3A_23 : i32
      %add3A_28 = arith.constant 0 : i32
      %add3A_29 = arith.addi %add3A_28, %mul3A_6 : i32
      %select_n3A_30 = arith.constant true
      %select_n3A_31 = arith.constant 0 : i32
      %select_n3A_32 = arith.constant 1 : i32
      %select_n3A_33 = arith.select %select_n3A_30, %select_n3A_32, %select_n3A_31 : i32
      %eq3A_34 = arith.constant 1 : i32
      %eq3A_35 = arith.cmpi eq, %select_n3A_33, %eq3A_34 : i32
      %select_n3A_36 = arith.constant 0 : i32
      %select_n3A_37 = arith.select %eq3A_35, %select_n3A_36, %select_n3A_33 : i32
      %add3A_38 = arith.constant 0 : i32
      %add3A_39 = arith.addi %add3A_38, %mul3A_6 : i32
      "tpu.trace_start"() <{level = 10 : i32, message = "ep_initialize_0"}> : () -> ()
      %rem3A = arith.constant 0 : i32
      %rem3A_40 = arith.constant 2 : i32
      %rem3A_41 = arith.remui %rem3A, %rem3A_40 : i32
      %mul3A_42 = arith.constant 1 : i32
      %mul3A_43 = arith.muli %mul3A_42, %add3A_11 : i32
      %dma_start3A = arith.constant 0 : i32
      %dma_start3A_44 = arith.constant 0 : i32
      %dma_start3A_45 = tpu.memref_slice %run_scoped3A[%rem3A_41, %dma_start3A, %dma_start3A_44] : memref<2x1x80xi32, #tpu.memory_space<vmem>> -> memref<1x1x80xi32, #tpu.memory_space<vmem>>
      %dma_start3A_46 = tpu.memref_squeeze %dma_start3A_45 : memref<1x1x80xi32, #tpu.memory_space<vmem>> -> memref<1x80xi32, #tpu.memory_space<vmem>>
      %dma_start3A_47 = arith.constant 0 : i32
      %dma_start3A_48 = tpu.memref_slice %arg3[%mul3A_43, %dma_start3A_47] : memref<32x80xi32, #tpu.memory_space<hbm>> -> memref<1x80xi32, #tpu.memory_space<hbm>>
      %dma_start3A_49 = tpu.memref_slice %run_scoped3A_7[%rem3A_41] : memref<2x!tpu.dma_semaphore, #tpu.memory_space<semaphore_mem>> -> memref<1x!tpu.dma_semaphore, #tpu.memory_space<semaphore_mem>>
      %dma_start3A_50 = tpu.memref_squeeze %dma_start3A_49 : memref<1x!tpu.dma_semaphore, #tpu.memory_space<semaphore_mem>> -> memref<!tpu.dma_semaphore, #tpu.memory_space<semaphore_mem>>
      %dma_start3A_51 = arith.constant 0 : i32
      %dma_start3A_52 = arith.constant 0 : i32
      %dma_start3A_53 = tpu.memref_slice %run_scoped3A[%rem3A_41, %dma_start3A_51, %dma_start3A_52] : memref<2x1x80xi32, #tpu.memory_space<vmem>> -> memref<1x1x80xi32, #tpu.memory_space<vmem>>
      %dma_start3A_54 = tpu.memref_squeeze %dma_start3A_53 : memref<1x1x80xi32, #tpu.memory_space<vmem>> -> memref<1x80xi32, #tpu.memory_space<vmem>>
      %dma_start3A_55 = arith.constant 0 : i32
      %dma_start3A_56 = tpu.memref_slice %arg3[%mul3A_43, %dma_start3A_55] : memref<32x80xi32, #tpu.memory_space<hbm>> -> memref<1x80xi32, #tpu.memory_space<hbm>>
      tpu.enqueue_dma source(%dma_start3A_56 : memref<1x80xi32, #tpu.memory_space<hbm>>) target(%dma_start3A_54 : memref<1x80xi32, #tpu.memory_space<vmem>>) target_semaphore(%dma_start3A_50 : memref<!tpu.dma_semaphore, #tpu.memory_space<semaphore_mem>>)
      %add3A_57 = arith.constant 0 : i32
      %add3A_58 = arith.constant 1 : i32
      %add3A_59 = arith.addi %add3A_57, %add3A_58 : i32
      %select_n3A_60 = arith.constant true
      %select_n3A_61 = arith.constant 0 : i32
      %select_n3A_62 = arith.select %select_n3A_60, %add3A_59, %select_n3A_61 : i32
      "tpu.trace_stop"() : () -> ()
      %scan3A = arith.constant 0 : i32
      %scan3A_63 = arith.constant 0 : i32
      %scan3A_64 = arith.constant 0 : i32
      %scan3A_65 = arith.constant 0 : i32
      %scan3A_66 = arith.constant 0 : i32
      %eq3A_67 = arith.constant 0 : i32
      %eq3A_68 = arith.cmpi eq, %scan3A_66, %eq3A_67 : i32
      %eq3A_69 = arith.constant 0 : i32
      %eq3A_70 = arith.cmpi eq, %scan3A_66, %eq3A_69 : i32
      %add3A_71 = arith.constant 0 : i32
      %add3A_72 = arith.addi %add3A_71, %mul3A_6 : i32
      %select_n3A_73 = arith.constant true
      %select_n3A_74 = arith.constant 0 : i32
      %select_n3A_75 = arith.constant -1 : i32
      %select_n3A_76 = arith.select %select_n3A_73, %select_n3A_75, %select_n3A_74 : i32
      %eq3A_77 = arith.constant -1 : i32
      %eq3A_78 = arith.cmpi eq, %select_n3A_76, %eq3A_77 : i32
      %select_n3A_79 = arith.constant 0 : i32
      %select_n3A_80 = arith.select %eq3A_78, %select_n3A_79, %select_n3A_76 : i32
      %add3A_81 = arith.constant 0 : i32
      %add3A_82 = arith.addi %add3A_81, %mul3A_6 : i32
      %select_n3A_83 = arith.constant true
      %select_n3A_84 = arith.constant 0 : i32
      %select_n3A_85 = arith.constant 1 : i32
      %select_n3A_86 = arith.select %select_n3A_83, %select_n3A_85, %select_n3A_84 : i32
      %eq3A_87 = arith.constant 1 : i32
      %eq3A_88 = arith.cmpi eq, %select_n3A_86, %eq3A_87 : i32
      %select_n3A_89 = arith.constant 0 : i32
      %select_n3A_90 = arith.select %eq3A_88, %select_n3A_89, %select_n3A_86 : i32
      %add3A_91 = arith.constant 0 : i32
      %add3A_92 = arith.addi %add3A_91, %mul3A_6 : i32
      %select_n3A_93 = arith.constant true
      %select_n3A_94 = arith.constant 0 : i32
      %select_n3A_95 = arith.constant 1 : i32
      %select_n3A_96 = arith.select %select_n3A_93, %select_n3A_95, %select_n3A_94 : i32
      %eq3A_97 = arith.constant 1 : i32
      %eq3A_98 = arith.cmpi eq, %select_n3A_96, %eq3A_97 : i32
      %select_n3A_99 = arith.constant 0 : i32
      %select_n3A_100 = arith.select %eq3A_98, %select_n3A_99, %select_n3A_96 : i32
      %add3A_101 = arith.constant 0 : i32
      %add3A_102 = arith.addi %add3A_101, %mul3A_6 : i32
      %ne3A = arith.cmpi ne, %add3A_72, %add3A_92 : i32
      %or3A = arith.constant false
      %or3A_103 = arith.ori %or3A, %ne3A : i1
      %or3A_104 = arith.constant false
      %or3A_105 = arith.ori %or3A_103, %or3A_104 : i1
      %ge3A = arith.constant 0 : i32
      %ge3A_106 = arith.cmpi sge, %scan3A_66, %ge3A : i32
      %not3A = arith.constant true
      %not3A_107 = arith.xori %ge3A_106, %not3A : i1
      %and3A = arith.andi %or3A_105, %not3A_107 : i1
      %convert_element_type3A = arith.extui %and3A : i1 to i32
      %cond3A = arith.constant 0 : i32
      %cond3A_108 = arith.cmpi ne, %convert_element_type3A, %cond3A : i32
      scf.if %cond3A_108 {
        "tpu.trace_start"() <{level = 10 : i32, message = "ep_copy_in"}> : () -> ()
        %rem3A_276 = arith.constant 2 : i32
        %rem3A_277 = arith.remui %select_n3A_62, %rem3A_276 : i32
        %mul3A_278 = arith.constant 1 : i32
        %mul3A_279 = arith.muli %mul3A_278, %add3A_92 : i32
        %dma_start3A_280 = arith.constant 0 : i32
        %dma_start3A_281 = arith.constant 0 : i32
        %dma_start3A_282 = tpu.memref_slice %run_scoped3A[%rem3A_277, %dma_start3A_280, %dma_start3A_281] : memref<2x1x80xi32, #tpu.memory_space<vmem>> -> memref<1x1x80xi32, #tpu.memory_space<vmem>>
        %dma_start3A_283 = tpu.memref_squeeze %dma_start3A_282 : memref<1x1x80xi32, #tpu.memory_space<vmem>> -> memref<1x80xi32, #tpu.memory_space<vmem>>
        %dma_start3A_284 = arith.constant 0 : i32
        %dma_start3A_285 = tpu.memref_slice %arg3[%mul3A_279, %dma_start3A_284] : memref<32x80xi32, #tpu.memory_space<hbm>> -> memref<1x80xi32, #tpu.memory_space<hbm>>
        %dma_start3A_286 = tpu.memref_slice %run_scoped3A_7[%rem3A_277] : memref<2x!tpu.dma_semaphore, #tpu.memory_space<semaphore_mem>> -> memref<1x!tpu.dma_semaphore, #tpu.memory_space<semaphore_mem>>
        %dma_start3A_287 = tpu.memref_squeeze %dma_start3A_286 : memref<1x!tpu.dma_semaphore, #tpu.memory_space<semaphore_mem>> -> memref<!tpu.dma_semaphore, #tpu.memory_space<semaphore_mem>>
        %dma_start3A_288 = arith.constant 0 : i32
        %dma_start3A_289 = arith.constant 0 : i32
        %dma_start3A_290 = tpu.memref_slice %run_scoped3A[%rem3A_277, %dma_start3A_288, %dma_start3A_289] : memref<2x1x80xi32, #tpu.memory_space<vmem>> -> memref<1x1x80xi32, #tpu.memory_space<vmem>>
        %dma_start3A_291 = tpu.memref_squeeze %dma_start3A_290 : memref<1x1x80xi32, #tpu.memory_space<vmem>> -> memref<1x80xi32, #tpu.memory_space<vmem>>
        %dma_start3A_292 = arith.constant 0 : i32
        %dma_start3A_293 = tpu.memref_slice %arg3[%mul3A_279, %dma_start3A_292] : memref<32x80xi32, #tpu.memory_space<hbm>> -> memref<1x80xi32, #tpu.memory_space<hbm>>
        tpu.enqueue_dma source(%dma_start3A_293 : memref<1x80xi32, #tpu.memory_space<hbm>>) target(%dma_start3A_291 : memref<1x80xi32, #tpu.memory_space<vmem>>) target_semaphore(%dma_start3A_287 : memref<!tpu.dma_semaphore, #tpu.memory_space<semaphore_mem>>)
        "tpu.trace_stop"() : () -> ()
      } else {
      }
      %and3A_109 = arith.constant true
      %and3A_110 = arith.andi %and3A, %and3A_109 : i1
      %add3A_111 = arith.constant 1 : i32
      %add3A_112 = arith.addi %select_n3A_62, %add3A_111 : i32
      %select_n3A_113 = arith.select %and3A_110, %add3A_112, %select_n3A_62 : i32
      %ne3A_114 = arith.cmpi ne, %add3A_72, %add3A_92 : i32
      %or3A_115 = arith.constant false
      %or3A_116 = arith.ori %or3A_115, %ne3A_114 : i1
      %or3A_117 = arith.constant false
      %or3A_118 = arith.ori %or3A_116, %or3A_117 : i1
      %ge3A_119 = arith.constant 0 : i32
      %ge3A_120 = arith.cmpi sge, %scan3A_66, %ge3A_119 : i32
      %not3A_121 = arith.constant true
      %not3A_122 = arith.xori %ge3A_120, %not3A_121 : i1
      %and3A_123 = arith.andi %or3A_118, %not3A_122 : i1
      %ne3A_124 = arith.cmpi ne, %add3A_72, %add3A_82 : i32
      %or3A_125 = arith.constant false
      %or3A_126 = arith.ori %or3A_125, %ne3A_124 : i1
      %or3A_127 = arith.constant false
      %or3A_128 = arith.ori %or3A_126, %or3A_127 : i1
      %or3A_129 = arith.ori %or3A_128, %eq3A_68 : i1
      %convert_element_type3A_130 = arith.extui %or3A_129 : i1 to i32
      %cond3A_131 = arith.constant 0 : i32
      %cond3A_132 = arith.cmpi ne, %convert_element_type3A_130, %cond3A_131 : i32
      scf.if %cond3A_132 {
        "tpu.trace_start"() <{level = 10 : i32, message = "ep_wait_in"}> : () -> ()
        %mul3A_276 = arith.constant 1 : i32
        %mul3A_277 = arith.muli %mul3A_276, %add3A_72 : i32
        %rem3A_278 = arith.constant 2 : i32
        %rem3A_279 = arith.remui %scan3A, %rem3A_278 : i32
        %dma_wait3A_280 = arith.constant 0 : i32
        %dma_wait3A_281 = arith.constant 0 : i32
        %dma_wait3A_282 = tpu.memref_slice %run_scoped3A[%rem3A_279, %dma_wait3A_280, %dma_wait3A_281] : memref<2x1x80xi32, #tpu.memory_space<vmem>> -> memref<1x1x80xi32, #tpu.memory_space<vmem>>
        %dma_wait3A_283 = tpu.memref_squeeze %dma_wait3A_282 : memref<1x1x80xi32, #tpu.memory_space<vmem>> -> memref<1x80xi32, #tpu.memory_space<vmem>>
        %dma_wait3A_284 = arith.constant 0 : i32
        %dma_wait3A_285 = tpu.memref_slice %arg3[%mul3A_277, %dma_wait3A_284] : memref<32x80xi32, #tpu.memory_space<hbm>> -> memref<1x80xi32, #tpu.memory_space<hbm>>
        %dma_wait3A_286 = tpu.memref_slice %run_scoped3A_7[%rem3A_279] : memref<2x!tpu.dma_semaphore, #tpu.memory_space<semaphore_mem>> -> memref<1x!tpu.dma_semaphore, #tpu.memory_space<semaphore_mem>>
        %dma_wait3A_287 = tpu.memref_squeeze %dma_wait3A_286 : memref<1x!tpu.dma_semaphore, #tpu.memory_space<semaphore_mem>> -> memref<!tpu.dma_semaphore, #tpu.memory_space<semaphore_mem>>
        %dma_wait3A_288 = arith.constant 0 : i32
        %dma_wait3A_289 = arith.constant 0 : i32
        %dma_wait3A_290 = tpu.memref_slice %run_scoped3A[%rem3A_279, %dma_wait3A_288, %dma_wait3A_289] : memref<2x1x80xi32, #tpu.memory_space<vmem>> -> memref<1x1x80xi32, #tpu.memory_space<vmem>>
        %dma_wait3A_291 = tpu.memref_squeeze %dma_wait3A_290 : memref<1x1x80xi32, #tpu.memory_space<vmem>> -> memref<1x80xi32, #tpu.memory_space<vmem>>
        %dma_wait3A_292 = arith.constant 0 : i32
        %dma_wait3A_293 = tpu.memref_slice %arg3[%mul3A_277, %dma_wait3A_292] : memref<32x80xi32, #tpu.memory_space<hbm>> -> memref<1x80xi32, #tpu.memory_space<hbm>>
        tpu.wait_dma2 semaphore(%dma_wait3A_287 : memref<!tpu.dma_semaphore, #tpu.memory_space<semaphore_mem>>) src(%dma_wait3A_293 : memref<1x80xi32, #tpu.memory_space<hbm>>) dst(%dma_wait3A_291 : memref<1x80xi32, #tpu.memory_space<vmem>>)
        "tpu.trace_stop"() : () -> ()
      } else {
      }
      %ne3A_133 = arith.cmpi ne, %add3A_72, %add3A_82 : i32
      %or3A_134 = arith.constant false
      %or3A_135 = arith.ori %or3A_134, %ne3A_133 : i1
      %or3A_136 = arith.constant false
      %or3A_137 = arith.ori %or3A_135, %or3A_136 : i1
      %or3A_138 = arith.ori %or3A_137, %eq3A_68 : i1
      %convert_element_type3A_139 = arith.extui %or3A_138 : i1 to i32
      %cond3A_140 = arith.constant 0 : i32
      %cond3A_141 = arith.cmpi ne, %convert_element_type3A_139, %cond3A_140 : i32
      scf.if %cond3A_141 {
      } else {
      }
      %rem3A_142 = arith.constant 2 : i32
      %rem3A_143 = arith.remui %scan3A, %rem3A_142 : i32
      %rem3A_144 = arith.constant 2 : i32
      %rem3A_145 = arith.remui %scan3A_63, %rem3A_144 : i32
      %run_scoped3A_146 = arith.constant 0 : i32
      "tpu.trace_start"() <{level = 10 : i32, message = "ep_run_kernel"}> : () -> ()
      "tpu.region"() ({
        %run_scoped3A_276 = tpu.sem_alloc : memref<!tpu.dma_semaphore, #tpu.memory_space<semaphore_mem>>
        %dma_start3A_277 = arith.constant 0 : i32
        %dma_start3A_278 = arith.constant 0 : i32
        %dma_start3A_279 = tpu.memref_slice %run_scoped3A_8[%rem3A_145, %dma_start3A_277, %dma_start3A_278] : memref<2x80x128xf32, #tpu.memory_space<vmem>> -> memref<1x80x128xf32, #tpu.memory_space<vmem>>
        %dma_start3A_280 = tpu.memref_squeeze %dma_start3A_279 : memref<1x80x128xf32, #tpu.memory_space<vmem>> -> memref<80x128xf32, #tpu.memory_space<vmem>>
        %dma_start3A_281 = arith.constant 0 : i32
        %dma_start3A_282 = arith.constant 0 : i32
        %dma_start3A_283 = tpu.memref_slice %run_scoped3A[%rem3A_143, %dma_start3A_281, %dma_start3A_282] : memref<2x1x80xi32, #tpu.memory_space<vmem>> -> memref<1x1x80xi32, #tpu.memory_space<vmem>>
        %dma_start3A_284 = tpu.memref_squeeze %dma_start3A_283 : memref<1x1x80xi32, #tpu.memory_space<vmem>> -> memref<1x80xi32, #tpu.memory_space<vmem>>
        %dma_start3A_285 = arith.constant 0 : i32
        %dma_start3A_286 = tpu.memref_slice %dma_start3A_284[%run_scoped3A_146, %dma_start3A_285] : memref<1x80xi32, #tpu.memory_space<vmem>> -> memref<1x80xi32, #tpu.memory_space<vmem>>
        %dma_start3A_287 = tpu.memref_squeeze %dma_start3A_286 : memref<1x80xi32, #tpu.memory_space<vmem>> -> memref<80xi32, #tpu.memory_space<vmem>>
        %dma_start3A_288 = arith.constant 0 : i32
        %dma_start3A_289 = arith.constant 0 : i32
        %dma_start3A_290 = tpu.memref_slice %arg2[%dma_start3A_288, %dma_start3A_289] : memref<32768x128xf32, #tpu.memory_space<hbm>> -> memref<32768x128xf32, #tpu.memory_space<hbm>>
        tpu.enqueue_indirect_dma source(%dma_start3A_290 : memref<32768x128xf32, #tpu.memory_space<hbm>>) target(%dma_start3A_280 : memref<80x128xf32, #tpu.memory_space<vmem>>) offsets(%dma_start3A_287 : memref<80xi32, #tpu.memory_space<vmem>>) semaphore(%run_scoped3A_276 : memref<!tpu.dma_semaphore, #tpu.memory_space<semaphore_mem>>)
        %dma_wait3A_291 = arith.constant 0 : i32
        %dma_wait3A_292 = arith.constant 0 : i32
        %dma_wait3A_293 = tpu.memref_slice %run_scoped3A_8[%rem3A_145, %dma_wait3A_291, %dma_wait3A_292] : memref<2x80x128xf32, #tpu.memory_space<vmem>> -> memref<1x80x128xf32, #tpu.memory_space<vmem>>
        %dma_wait3A_294 = tpu.memref_squeeze %dma_wait3A_293 : memref<1x80x128xf32, #tpu.memory_space<vmem>> -> memref<80x128xf32, #tpu.memory_space<vmem>>
        %dma_wait3A_295 = arith.constant 0 : i32
        %dma_wait3A_296 = arith.constant 0 : i32
        %dma_wait3A_297 = tpu.memref_slice %run_scoped3A[%rem3A_143, %dma_wait3A_295, %dma_wait3A_296] : memref<2x1x80xi32, #tpu.memory_space<vmem>> -> memref<1x1x80xi32, #tpu.memory_space<vmem>>
        %dma_wait3A_298 = tpu.memref_squeeze %dma_wait3A_297 : memref<1x1x80xi32, #tpu.memory_space<vmem>> -> memref<1x80xi32, #tpu.memory_space<vmem>>
        %dma_wait3A_299 = arith.constant 0 : i32
        %dma_wait3A_300 = tpu.memref_slice %dma_wait3A_298[%run_scoped3A_146, %dma_wait3A_299] : memref<1x80xi32, #tpu.memory_space<vmem>> -> memref<1x80xi32, #tpu.memory_space<vmem>>
        %dma_wait3A_301 = tpu.memref_squeeze %dma_wait3A_300 : memref<1x80xi32, #tpu.memory_space<vmem>> -> memref<80xi32, #tpu.memory_space<vmem>>
        %dma_wait3A_302 = arith.constant 0 : i32
        %dma_wait3A_303 = arith.constant 0 : i32
        %dma_wait3A_304 = tpu.memref_slice %arg2[%dma_wait3A_302, %dma_wait3A_303] : memref<32768x128xf32, #tpu.memory_space<hbm>> -> memref<32768x128xf32, #tpu.memory_space<hbm>>
        tpu.wait_indirect_dma semaphore(%run_scoped3A_276 : memref<!tpu.dma_semaphore, #tpu.memory_space<semaphore_mem>>) src(%dma_wait3A_304 : memref<32768x128xf32, #tpu.memory_space<hbm>>) dst(%dma_wait3A_294 : memref<80x128xf32, #tpu.memory_space<vmem>>)
        tpu.yield
      }) : () -> ()
      "tpu.trace_stop"() : () -> ()
      %ne3A_147 = arith.cmpi ne, %add3A_72, %add3A_92 : i32
      %or3A_148 = arith.constant false
      %or3A_149 = arith.ori %or3A_148, %ne3A_147 : i1
      %or3A_150 = arith.constant false
      %or3A_151 = arith.ori %or3A_149, %or3A_150 : i1
      %or3A_152 = arith.ori %or3A_151, %eq3A_70 : i1
      %convert_element_type3A_153 = arith.extui %or3A_152 : i1 to i32
      %cond3A_154 = arith.constant 0 : i32
      %cond3A_155 = arith.cmpi ne, %convert_element_type3A_153, %cond3A_154 : i32
      scf.if %cond3A_155 {
      } else {
      }
      %and3A_156 = arith.constant false
      %and3A_157 = arith.andi %or3A_152, %and3A_156 : i1
      %ne3A_158 = arith.cmpi ne, %add3A_72, %add3A_92 : i32
      %or3A_159 = arith.constant false
      %or3A_160 = arith.ori %or3A_159, %ne3A_158 : i1
      %or3A_161 = arith.constant false
      %or3A_162 = arith.ori %or3A_160, %or3A_161 : i1
      %or3A_163 = arith.ori %or3A_162, %eq3A_70 : i1
      %convert_element_type3A_164 = arith.extui %or3A_163 : i1 to i32
      %cond3A_165 = arith.constant 0 : i32
      %cond3A_166 = arith.cmpi ne, %convert_element_type3A_164, %cond3A_165 : i32
      scf.if %cond3A_166 {
        "tpu.trace_start"() <{level = 10 : i32, message = "ep_copy_out"}> : () -> ()
        %rem3A_276 = arith.constant 2 : i32
        %rem3A_277 = arith.remui %scan3A_63, %rem3A_276 : i32
        %mul3A_278 = arith.constant 80 : i32
        %mul3A_279 = arith.muli %mul3A_278, %add3A_72 : i32
        %dma_start3A_280 = arith.constant 0 : i32
        %dma_start3A_281 = arith.constant 0 : i32
        %dma_start3A_282 = tpu.memref_slice %run_scoped3A_8[%rem3A_277, %dma_start3A_280, %dma_start3A_281] : memref<2x80x128xf32, #tpu.memory_space<vmem>> -> memref<1x80x128xf32, #tpu.memory_space<vmem>>
        %dma_start3A_283 = tpu.memref_squeeze %dma_start3A_282 : memref<1x80x128xf32, #tpu.memory_space<vmem>> -> memref<80x128xf32, #tpu.memory_space<vmem>>
        %dma_start3A_284 = arith.constant 0 : i32
        %dma_start3A_285 = tpu.memref_slice %arg4[%mul3A_279, %dma_start3A_284] : memref<2560x128xf32, #tpu.memory_space<hbm>> -> memref<80x128xf32, #tpu.memory_space<hbm>>
        %dma_start3A_286 = tpu.memref_slice %run_scoped3A_9[%rem3A_277] : memref<2x!tpu.dma_semaphore, #tpu.memory_space<semaphore_mem>> -> memref<1x!tpu.dma_semaphore, #tpu.memory_space<semaphore_mem>>
        %dma_start3A_287 = tpu.memref_squeeze %dma_start3A_286 : memref<1x!tpu.dma_semaphore, #tpu.memory_space<semaphore_mem>> -> memref<!tpu.dma_semaphore, #tpu.memory_space<semaphore_mem>>
        %dma_start3A_288 = arith.constant 0 : i32
        %dma_start3A_289 = tpu.memref_slice %arg4[%mul3A_279, %dma_start3A_288] : memref<2560x128xf32, #tpu.memory_space<hbm>> -> memref<80x128xf32, #tpu.memory_space<hbm>>
        %dma_start3A_290 = arith.constant 0 : i32
        %dma_start3A_291 = arith.constant 0 : i32
        %dma_start3A_292 = tpu.memref_slice %run_scoped3A_8[%rem3A_277, %dma_start3A_290, %dma_start3A_291] : memref<2x80x128xf32, #tpu.memory_space<vmem>> -> memref<1x80x128xf32, #tpu.memory_space<vmem>>
        %dma_start3A_293 = tpu.memref_squeeze %dma_start3A_292 : memref<1x80x128xf32, #tpu.memory_space<vmem>> -> memref<80x128xf32, #tpu.memory_space<vmem>>
        tpu.enqueue_dma source(%dma_start3A_293 : memref<80x128xf32, #tpu.memory_space<vmem>>) target(%dma_start3A_289 : memref<80x128xf32, #tpu.memory_space<hbm>>) target_semaphore(%dma_start3A_287 : memref<!tpu.dma_semaphore, #tpu.memory_space<semaphore_mem>>)
        "tpu.trace_stop"() : () -> ()
      } else {
      }
      %and3A_167 = arith.constant true
      %and3A_168 = arith.andi %or3A_163, %and3A_167 : i1
      %add3A_169 = arith.constant 1 : i32
      %add3A_170 = arith.addi %scan3A_63, %add3A_169 : i32
      %select_n3A_171 = arith.select %and3A_168, %add3A_170, %scan3A_63 : i32
      %ne3A_172 = arith.cmpi ne, %add3A_72, %add3A_82 : i32
      %or3A_173 = arith.constant false
      %or3A_174 = arith.ori %or3A_173, %ne3A_172 : i1
      %or3A_175 = arith.constant false
      %or3A_176 = arith.ori %or3A_174, %or3A_175 : i1
      %not3A_177 = arith.constant true
      %not3A_178 = arith.xori %eq3A_68, %not3A_177 : i1
      %and3A_179 = arith.andi %or3A_176, %not3A_178 : i1
      %convert_element_type3A_180 = arith.extui %and3A_179 : i1 to i32
      %cond3A_181 = arith.constant 0 : i32
      %cond3A_182 = arith.cmpi ne, %convert_element_type3A_180, %cond3A_181 : i32
      scf.if %cond3A_182 {
      } else {
      }
      %and3A_183 = arith.constant false
      %and3A_184 = arith.andi %and3A_179, %and3A_183 : i1
      %ne3A_185 = arith.cmpi ne, %add3A_72, %add3A_82 : i32
      %or3A_186 = arith.constant false
      %or3A_187 = arith.ori %or3A_186, %ne3A_185 : i1
      %or3A_188 = arith.constant false
      %or3A_189 = arith.ori %or3A_187, %or3A_188 : i1
      %not3A_190 = arith.constant true
      %not3A_191 = arith.xori %eq3A_68, %not3A_190 : i1
      %and3A_192 = arith.andi %or3A_189, %not3A_191 : i1
      %convert_element_type3A_193 = arith.extui %and3A_192 : i1 to i32
      %cond3A_194 = arith.constant 0 : i32
      %cond3A_195 = arith.cmpi ne, %convert_element_type3A_193, %cond3A_194 : i32
      scf.if %cond3A_195 {
        "tpu.trace_start"() <{level = 10 : i32, message = "ep_wait_out"}> : () -> ()
        %rem3A_276 = arith.constant 2 : i32
        %rem3A_277 = arith.remui %scan3A_64, %rem3A_276 : i32
        %mul3A_278 = arith.constant 80 : i32
        %mul3A_279 = arith.muli %mul3A_278, %add3A_82 : i32
        %dma_wait3A_280 = arith.constant 0 : i32
        %dma_wait3A_281 = arith.constant 0 : i32
        %dma_wait3A_282 = tpu.memref_slice %run_scoped3A_8[%rem3A_277, %dma_wait3A_280, %dma_wait3A_281] : memref<2x80x128xf32, #tpu.memory_space<vmem>> -> memref<1x80x128xf32, #tpu.memory_space<vmem>>
        %dma_wait3A_283 = tpu.memref_squeeze %dma_wait3A_282 : memref<1x80x128xf32, #tpu.memory_space<vmem>> -> memref<80x128xf32, #tpu.memory_space<vmem>>
        %dma_wait3A_284 = arith.constant 0 : i32
        %dma_wait3A_285 = tpu.memref_slice %arg4[%mul3A_279, %dma_wait3A_284] : memref<2560x128xf32, #tpu.memory_space<hbm>> -> memref<80x128xf32, #tpu.memory_space<hbm>>
        %dma_wait3A_286 = tpu.memref_slice %run_scoped3A_9[%rem3A_277] : memref<2x!tpu.dma_semaphore, #tpu.memory_space<semaphore_mem>> -> memref<1x!tpu.dma_semaphore, #tpu.memory_space<semaphore_mem>>
        %dma_wait3A_287 = tpu.memref_squeeze %dma_wait3A_286 : memref<1x!tpu.dma_semaphore, #tpu.memory_space<semaphore_mem>> -> memref<!tpu.dma_semaphore, #tpu.memory_space<semaphore_mem>>
        %dma_wait3A_288 = arith.constant 0 : i32
        %dma_wait3A_289 = tpu.memref_slice %arg4[%mul3A_279, %dma_wait3A_288] : memref<2560x128xf32, #tpu.memory_space<hbm>> -> memref<80x128xf32, #tpu.memory_space<hbm>>
        %dma_wait3A_290 = arith.constant 0 : i32
        %dma_wait3A_291 = arith.constant 0 : i32
        %dma_wait3A_292 = tpu.memref_slice %run_scoped3A_8[%rem3A_277, %dma_wait3A_290, %dma_wait3A_291] : memref<2x80x128xf32, #tpu.memory_space<vmem>> -> memref<1x80x128xf32, #tpu.memory_space<vmem>>
        %dma_wait3A_293 = tpu.memref_squeeze %dma_wait3A_292 : memref<1x80x128xf32, #tpu.memory_space<vmem>> -> memref<80x128xf32, #tpu.memory_space<vmem>>
        tpu.wait_dma2 semaphore(%dma_wait3A_287 : memref<!tpu.dma_semaphore, #tpu.memory_space<semaphore_mem>>) src(%dma_wait3A_293 : memref<80x128xf32, #tpu.memory_space<vmem>>) dst(%dma_wait3A_289 : memref<80x128xf32, #tpu.memory_space<hbm>>)
        "tpu.trace_stop"() : () -> ()
      } else {
      }
      %and3A_196 = arith.constant true
      %and3A_197 = arith.andi %and3A_192, %and3A_196 : i1
      %add3A_198 = arith.constant 1 : i32
      %add3A_199 = arith.addi %scan3A_64, %add3A_198 : i32
      %select_n3A_200 = arith.select %and3A_197, %add3A_199, %scan3A_64 : i32
      %ne3A_201 = arith.cmpi ne, %add3A_72, %add3A_92 : i32
      %or3A_202 = arith.constant false
      %or3A_203 = arith.ori %or3A_202, %ne3A_201 : i1
      %or3A_204 = arith.constant false
      %or3A_205 = arith.ori %or3A_203, %or3A_204 : i1
      %or3A_206 = arith.ori %or3A_205, %eq3A_70 : i1
      %add3A_207 = arith.constant 1 : i32
      %add3A_208 = arith.addi %scan3A, %add3A_207 : i32
      %select_n3A_209 = arith.select %or3A_206, %add3A_208, %scan3A : i32
      %select_n3A_210 = arith.constant true
      %select_n3A_211 = arith.constant 0 : i32
      %select_n3A_212 = arith.constant 1 : i32
      %select_n3A_213 = arith.select %select_n3A_210, %select_n3A_212, %select_n3A_211 : i32
      %eq3A_214 = arith.constant 1 : i32
      %eq3A_215 = arith.cmpi eq, %select_n3A_213, %eq3A_214 : i32
      %select_n3A_216 = arith.constant 0 : i32
      %select_n3A_217 = arith.select %eq3A_215, %select_n3A_216, %select_n3A_213 : i32
      %scan3A_218 = arith.constant 0 : i32
      %scan3A_219 = arith.constant 1 : i32
      %sub3A = arith.constant 1 : i32
      %sub3A_220 = arith.subi %scan3A_218, %sub3A : i32
      %select_n3A_221 = arith.constant true
      %select_n3A_222 = arith.select %select_n3A_221, %sub3A_220, %scan3A_218 : i32
      %eq3A_223 = arith.constant -1 : i32
      %eq3A_224 = arith.cmpi eq, %select_n3A_222, %eq3A_223 : i32
      %select_n3A_225 = arith.constant 0 : i32
      %select_n3A_226 = arith.select %eq3A_224, %select_n3A_225, %select_n3A_222 : i32
      %add3A_227 = arith.constant 0 : i32
      %add3A_228 = arith.addi %add3A_227, %mul3A_6 : i32
      %select_n3A_229 = arith.constant true
      %select_n3A_230 = arith.constant 0 : i32
      %select_n3A_231 = arith.constant -1 : i32
      %select_n3A_232 = arith.select %select_n3A_229, %select_n3A_231, %select_n3A_230 : i32
      %eq3A_233 = arith.constant -1 : i32
      %eq3A_234 = arith.cmpi eq, %select_n3A_232, %eq3A_233 : i32
      %select_n3A_235 = arith.constant 0 : i32
      %select_n3A_236 = arith.select %eq3A_234, %select_n3A_235, %select_n3A_232 : i32
      %add3A_237 = arith.constant 0 : i32
      %add3A_238 = arith.addi %add3A_237, %mul3A_6 : i32
      %select_n3A_239 = arith.constant true
      %select_n3A_240 = arith.constant 0 : i32
      %select_n3A_241 = arith.constant 1 : i32
      %select_n3A_242 = arith.select %select_n3A_239, %select_n3A_241, %select_n3A_240 : i32
      %eq3A_243 = arith.constant 1 : i32
      %eq3A_244 = arith.cmpi eq, %select_n3A_242, %eq3A_243 : i32
      %select_n3A_245 = arith.constant 0 : i32
      %select_n3A_246 = arith.select %eq3A_244, %select_n3A_245, %select_n3A_242 : i32
      %add3A_247 = arith.constant 0 : i32
      %add3A_248 = arith.addi %add3A_247, %mul3A_6 : i32
      %select_n3A_249 = arith.constant true
      %select_n3A_250 = arith.constant 0 : i32
      %select_n3A_251 = arith.constant 1 : i32
      %select_n3A_252 = arith.select %select_n3A_249, %select_n3A_251, %select_n3A_250 : i32
      %eq3A_253 = arith.constant 1 : i32
      %eq3A_254 = arith.cmpi eq, %select_n3A_252, %eq3A_253 : i32
      %select_n3A_255 = arith.constant 0 : i32
      %select_n3A_256 = arith.select %eq3A_254, %select_n3A_255, %select_n3A_252 : i32
      %add3A_257 = arith.constant 0 : i32
      %add3A_258 = arith.addi %add3A_257, %mul3A_6 : i32
      "tpu.trace_start"() <{level = 10 : i32, message = "ep_finalize"}> : () -> ()
      %rem3A_259 = arith.constant 2 : i32
      %rem3A_260 = arith.remui %select_n3A_200, %rem3A_259 : i32
      %mul3A_261 = arith.constant 80 : i32
      %mul3A_262 = arith.muli %mul3A_261, %add3A_228 : i32
      %dma_wait3A = arith.constant 0 : i32
      %dma_wait3A_263 = arith.constant 0 : i32
      %dma_wait3A_264 = tpu.memref_slice %run_scoped3A_8[%rem3A_260, %dma_wait3A, %dma_wait3A_263] : memref<2x80x128xf32, #tpu.memory_space<vmem>> -> memref<1x80x128xf32, #tpu.memory_space<vmem>>
      %dma_wait3A_265 = tpu.memref_squeeze %dma_wait3A_264 : memref<1x80x128xf32, #tpu.memory_space<vmem>> -> memref<80x128xf32, #tpu.memory_space<vmem>>
      %dma_wait3A_266 = arith.constant 0 : i32
      %dma_wait3A_267 = tpu.memref_slice %arg4[%mul3A_262, %dma_wait3A_266] : memref<2560x128xf32, #tpu.memory_space<hbm>> -> memref<80x128xf32, #tpu.memory_space<hbm>>
      %dma_wait3A_268 = tpu.memref_slice %run_scoped3A_9[%rem3A_260] : memref<2x!tpu.dma_semaphore, #tpu.memory_space<semaphore_mem>> -> memref<1x!tpu.dma_semaphore, #tpu.memory_space<semaphore_mem>>
      %dma_wait3A_269 = tpu.memref_squeeze %dma_wait3A_268 : memref<1x!tpu.dma_semaphore, #tpu.memory_space<semaphore_mem>> -> memref<!tpu.dma_semaphore, #tpu.memory_space<semaphore_mem>>
      %dma_wait3A_270 = arith.constant 0 : i32
      %dma_wait3A_271 = tpu.memref_slice %arg4[%mul3A_262, %dma_wait3A_270] : memref<2560x128xf32, #tpu.memory_space<hbm>> -> memref<80x128xf32, #tpu.memory_space<hbm>>
      %dma_wait3A_272 = arith.constant 0 : i32
      %dma_wait3A_273 = arith.constant 0 : i32
      %dma_wait3A_274 = tpu.memref_slice %run_scoped3A_8[%rem3A_260, %dma_wait3A_272, %dma_wait3A_273] : memref<2x80x128xf32, #tpu.memory_space<vmem>> -> memref<1x80x128xf32, #tpu.memory_space<vmem>>
      %dma_wait3A_275 = tpu.memref_squeeze %dma_wait3A_274 : memref<1x80x128xf32, #tpu.memory_space<vmem>> -> memref<80x128xf32, #tpu.memory_space<vmem>>
      tpu.wait_dma2 semaphore(%dma_wait3A_269 : memref<!tpu.dma_semaphore, #tpu.memory_space<semaphore_mem>>) src(%dma_wait3A_275 : memref<80x128xf32, #tpu.memory_space<vmem>>) dst(%dma_wait3A_271 : memref<80x128xf32, #tpu.memory_space<hbm>>)
      "tpu.trace_stop"() : () -> ()
      tpu.yield
    }) : () -> ()
    return
  }
}

module attributes {stable_mosaic.version = 14 : i64} {
  func.func @_stage_a_body(%arg0: i32, %arg1: memref<16x32768xf32, #tpu.memory_space<vmem>>, %arg2: memref<16x32768xf32, #tpu.memory_space<vmem>>, %arg3: memref<4096x128xf32, #tpu.memory_space<vmem>>, %arg4: memref<128x20xi32, #tpu.memory_space<vmem>>, %arg5: memref<128x256xf32, #tpu.memory_space<vmem>>) attributes {dimension_semantics = [#tpu.dimension_semantics<arbitrary>], iteration_bounds = array<i64: 8>, scalar_prefetch = 0 : i64, scratch_operands = 1 : i64, tpu.core_type = #tpu.core_type<tc>, window_params = [{transform_indices = @transform_0, window_bounds = array<i64: 16, 32768>}, {transform_indices = @transform_1, window_bounds = array<i64: 16, 32768>}, {transform_indices = @transform_2, window_bounds = array<i64: 4096, 128>}, {pipeline_mode = #tpu.pipeline_mode<synchronous>, transform_indices = @transform_3, window_bounds = array<i64: 128, 20>}]} {
    %get3A = arith.constant 0 : index
    %get3A_0 = arith.constant 0 : index
    %get3A_1 = vector.load %arg1[%get3A, %get3A_0] : memref<16x32768xf32, #tpu.memory_space<vmem>>, vector<16x32768xf32>
    %get3A_2 = arith.constant 0 : index
    %get3A_3 = arith.constant 0 : index
    %get3A_4 = vector.load %arg2[%get3A_2, %get3A_3] : memref<16x32768xf32, #tpu.memory_space<vmem>>, vector<16x32768xf32>
    %max3A = arith.constant 0.000000e+00 : f32
    %max3A_5 = vector.broadcast %max3A : f32 to vector<16x32768xf32>
    %max3A_6 = arith.maximumf %get3A_1, %max3A_5 : vector<16x32768xf32>
    %mul3A = arith.mulf %get3A_1, %get3A_4 : vector<16x32768xf32>
    %sub3A = arith.subf %max3A_6, %mul3A : vector<16x32768xf32>
    %abs3A = math.absf %get3A_1 : vector<16x32768xf32>
    %neg3A = arith.constant 0.000000e+00 : f32
    %neg3A_7 = vector.broadcast %neg3A : f32 to vector<16x32768xf32>
    %neg3A_8 = arith.subf %neg3A_7, %abs3A : vector<16x32768xf32>
    %custom_jvp_call3A = arith.constant 0.000000e+00 : f32
    %max3A_9 = vector.broadcast %custom_jvp_call3A : f32 to vector<16x32768xf32>
    %max3A_10 = arith.maximumf %neg3A_8, %max3A_9 : vector<16x32768xf32>
    %sub3A_11 = vector.broadcast %custom_jvp_call3A : f32 to vector<16x32768xf32>
    %sub3A_12 = arith.subf %neg3A_8, %sub3A_11 : vector<16x32768xf32>
    %ne3A = arith.cmpf one, %sub3A_12, %sub3A_12 : vector<16x32768xf32>
    %add3A = vector.broadcast %custom_jvp_call3A : f32 to vector<16x32768xf32>
    %add3A_13 = arith.addf %neg3A_8, %add3A : vector<16x32768xf32>
    %abs3A_14 = math.absf %sub3A_12 : vector<16x32768xf32>
    %neg3A_15 = arith.constant 0.000000e+00 : f32
    %neg3A_16 = vector.broadcast %neg3A_15 : f32 to vector<16x32768xf32>
    %neg3A_17 = arith.subf %neg3A_16, %abs3A_14 : vector<16x32768xf32>
    %exp3A = math.exp %neg3A_17 : vector<16x32768xf32>
    %log1p3A = math.log1p %exp3A : vector<16x32768xf32>
    %add3A_18 = arith.addf %max3A_10, %log1p3A : vector<16x32768xf32>
    %select_n3A = arith.select %ne3A, %add3A_13, %add3A_18 : vector<16x32768xi1>, vector<16x32768xf32>
    %add3A_19 = arith.addf %sub3A, %select_n3A : vector<16x32768xf32>
    %reshape3A = vector.shape_cast %add3A_19 : vector<16x32768xf32> to vector<16x256x128xf32>
    %reduce_max3A = arith.constant dense<0xFF800000> : vector<16x256xf32>
    %reduce_max3A_20 = vector.multi_reduction <maximumf>, %reshape3A, %reduce_max3A [2] : vector<16x256x128xf32> to vector<16x256xf32>
    %mul3A_21 = arith.constant 16 : i32
    %mul3A_22 = arith.muli %arg0, %mul3A_21 : i32
    %swap3A = arith.index_cast %mul3A_22 : i32 to index
    %swap3A_23 = arith.constant 0 : index
    %swap3A_24 = vector.load %arg5[%swap3A, %swap3A_23] : memref<128x256xf32, #tpu.memory_space<vmem>>, vector<16x256xf32>
    tpu.vector_store %arg5[%swap3A, %swap3A_23], %reduce_max3A_20 {strides = array<i32>} : memref<128x256xf32, #tpu.memory_space<vmem>>, vector<16x256xf32>,
    %reshape3A_25 = vector.shape_cast %add3A_19 : vector<16x32768xf32> to vector<4096x128xf32>
    %swap3A_26 = arith.constant 0 : index
    %swap3A_27 = arith.constant 0 : index
    %swap3A_28 = vector.load %arg3[%swap3A_26, %swap3A_27] : memref<4096x128xf32, #tpu.memory_space<vmem>>, vector<4096x128xf32>
    tpu.vector_store %arg3[%swap3A_26, %swap3A_27], %reshape3A_25 {strides = array<i32>} : memref<4096x128xf32, #tpu.memory_space<vmem>>, vector<4096x128xf32>,
    %eq3A = arith.constant 7 : i32
    %eq3A_29 = arith.cmpi eq, %arg0, %eq3A : i32
    %convert_element_type3A = arith.extui %eq3A_29 : i1 to i32
    %cond3A = arith.constant 0 : i32
    %cond3A_30 = arith.cmpi ne, %convert_element_type3A, %cond3A : i32
    scf.if %cond3A_30 {
      %get3A_31 = arith.constant 0 : index
      %get3A_32 = arith.constant 0 : index
      %get3A_33 = vector.load %arg5[%get3A_31, %get3A_32] : memref<128x256xf32, #tpu.memory_space<vmem>>, vector<128x256xf32>
      %iota3A = tpu.iota {dimensions = array<i32: 1>} : vector<128x256xi32>
      %broadcast_in_dim3A = arith.constant false
      %broadcast_in_dim3A_34 = vector.broadcast %broadcast_in_dim3A : i1 to vector<128x256xi1>
      %jit3A = arith.constant -1.000000e+30 : f32
      %broadcast_in_dim3A_35 = vector.broadcast %jit3A : f32 to vector<128x256xf32>
      %select_n3A_36 = arith.select %broadcast_in_dim3A_34, %broadcast_in_dim3A_35, %get3A_33 : vector<128x256xi1>, vector<128x256xf32>
      %reduce_max3A_37 = arith.constant dense<0xFF800000> : vector<128xf32>
      %reduce_max3A_38 = vector.multi_reduction <maximumf>, %select_n3A_36, %reduce_max3A_37 [1] : vector<128x256xf32> to vector<128xf32>
      %broadcast_in_dim3A_39 = vector.shape_cast %reduce_max3A_38 : vector<128xf32> to vector<128x1xf32>
      %eq3A_40 = vector.broadcast %broadcast_in_dim3A_39 : vector<128x1xf32> to vector<128x256xf32>
      %eq3A_41 = arith.cmpf oeq, %get3A_33, %eq3A_40 : vector<128x256xf32>
      %not3A = arith.constant dense<true> : vector<128x256xi1>
      %not3A_42 = arith.xori %broadcast_in_dim3A_34, %not3A : vector<128x256xi1>
      %and3A = arith.andi %eq3A_41, %not3A_42 : vector<128x256xi1>
      %jit3A_43 = arith.constant 256 : i32
      %broadcast_in_dim3A_44 = vector.broadcast %jit3A_43 : i32 to vector<128x256xi32>
      %select_n3A_45 = arith.select %and3A, %iota3A, %broadcast_in_dim3A_44 : vector<128x256xi1>, vector<128x256xi32>
      %reduce_min3A = arith.constant dense<2147483647> : vector<128xi32>
      %reduce_min3A_46 = vector.multi_reduction <minsi>, %select_n3A_45, %reduce_min3A [1] : vector<128x256xi32> to vector<128xi32>
      %broadcast_in_dim3A_47 = vector.shape_cast %reduce_min3A_46 : vector<128xi32> to vector<128x1xi32>
      %eq3A_48 = vector.broadcast %broadcast_in_dim3A_47 : vector<128x1xi32> to vector<128x256xi32>
      %eq3A_49 = arith.cmpi eq, %iota3A, %eq3A_48 : vector<128x256xi32>
      %or3A = arith.ori %broadcast_in_dim3A_34, %eq3A_49 : vector<128x256xi1>
      %jit3A_50 = arith.constant -1.000000e+30 : f32
      %broadcast_in_dim3A_51 = vector.broadcast %jit3A_50 : f32 to vector<128x256xf32>
      %select_n3A_52 = arith.select %or3A, %broadcast_in_dim3A_51, %get3A_33 : vector<128x256xi1>, vector<128x256xf32>
      %reduce_max3A_53 = arith.constant dense<0xFF800000> : vector<128xf32>
      %reduce_max3A_54 = vector.multi_reduction <maximumf>, %select_n3A_52, %reduce_max3A_53 [1] : vector<128x256xf32> to vector<128xf32>
      %broadcast_in_dim3A_55 = vector.shape_cast %reduce_max3A_54 : vector<128xf32> to vector<128x1xf32>
      %eq3A_56 = vector.broadcast %broadcast_in_dim3A_55 : vector<128x1xf32> to vector<128x256xf32>
      %eq3A_57 = arith.cmpf oeq, %get3A_33, %eq3A_56 : vector<128x256xf32>
      %not3A_58 = arith.constant dense<true> : vector<128x256xi1>
      %not3A_59 = arith.xori %or3A, %not3A_58 : vector<128x256xi1>
      %and3A_60 = arith.andi %eq3A_57, %not3A_59 : vector<128x256xi1>
      %jit3A_61 = arith.constant 256 : i32
      %broadcast_in_dim3A_62 = vector.broadcast %jit3A_61 : i32 to vector<128x256xi32>
      %select_n3A_63 = arith.select %and3A_60, %iota3A, %broadcast_in_dim3A_62 : vector<128x256xi1>, vector<128x256xi32>
      %reduce_min3A_64 = arith.constant dense<2147483647> : vector<128xi32>
      %reduce_min3A_65 = vector.multi_reduction <minsi>, %select_n3A_63, %reduce_min3A_64 [1] : vector<128x256xi32> to vector<128xi32>
      %broadcast_in_dim3A_66 = vector.shape_cast %reduce_min3A_65 : vector<128xi32> to vector<128x1xi32>
      %eq3A_67 = vector.broadcast %broadcast_in_dim3A_66 : vector<128x1xi32> to vector<128x256xi32>
      %eq3A_68 = arith.cmpi eq, %iota3A, %eq3A_67 : vector<128x256xi32>
      %or3A_69 = arith.ori %or3A, %eq3A_68 : vector<128x256xi1>
      %jit3A_70 = arith.constant -1.000000e+30 : f32
      %broadcast_in_dim3A_71 = vector.broadcast %jit3A_70 : f32 to vector<128x256xf32>
      %select_n3A_72 = arith.select %or3A_69, %broadcast_in_dim3A_71, %get3A_33 : vector<128x256xi1>, vector<128x256xf32>
      %reduce_max3A_73 = arith.constant dense<0xFF800000> : vector<128xf32>
      %reduce_max3A_74 = vector.multi_reduction <maximumf>, %select_n3A_72, %reduce_max3A_73 [1] : vector<128x256xf32> to vector<128xf32>
      %broadcast_in_dim3A_75 = vector.shape_cast %reduce_max3A_74 : vector<128xf32> to vector<128x1xf32>
      %eq3A_76 = vector.broadcast %broadcast_in_dim3A_75 : vector<128x1xf32> to vector<128x256xf32>
      %eq3A_77 = arith.cmpf oeq, %get3A_33, %eq3A_76 : vector<128x256xf32>
      %not3A_78 = arith.constant dense<true> : vector<128x256xi1>
      %not3A_79 = arith.xori %or3A_69, %not3A_78 : vector<128x256xi1>
      %and3A_80 = arith.andi %eq3A_77, %not3A_79 : vector<128x256xi1>
      %jit3A_81 = arith.constant 256 : i32
      %broadcast_in_dim3A_82 = vector.broadcast %jit3A_81 : i32 to vector<128x256xi32>
      %select_n3A_83 = arith.select %and3A_80, %iota3A, %broadcast_in_dim3A_82 : vector<128x256xi1>, vector<128x256xi32>
      %reduce_min3A_84 = arith.constant dense<2147483647> : vector<128xi32>
      %reduce_min3A_85 = vector.multi_reduction <minsi>, %select_n3A_83, %reduce_min3A_84 [1] : vector<128x256xi32> to vector<128xi32>
      %broadcast_in_dim3A_86 = vector.shape_cast %reduce_min3A_85 : vector<128xi32> to vector<128x1xi32>
      %eq3A_87 = vector.broadcast %broadcast_in_dim3A_86 : vector<128x1xi32> to vector<128x256xi32>
      %eq3A_88 = arith.cmpi eq, %iota3A, %eq3A_87 : vector<128x256xi32>
      %or3A_89 = arith.ori %or3A_69, %eq3A_88 : vector<128x256xi1>
      %jit3A_90 = arith.constant -1.000000e+30 : f32
      %broadcast_in_dim3A_91 = vector.broadcast %jit3A_90 : f32 to vector<128x256xf32>
      %select_n3A_92 = arith.select %or3A_89, %broadcast_in_dim3A_91, %get3A_33 : vector<128x256xi1>, vector<128x256xf32>
      %reduce_max3A_93 = arith.constant dense<0xFF800000> : vector<128xf32>
      %reduce_max3A_94 = vector.multi_reduction <maximumf>, %select_n3A_92, %reduce_max3A_93 [1] : vector<128x256xf32> to vector<128xf32>
      %broadcast_in_dim3A_95 = vector.shape_cast %reduce_max3A_94 : vector<128xf32> to vector<128x1xf32>
      %eq3A_96 = vector.broadcast %broadcast_in_dim3A_95 : vector<128x1xf32> to vector<128x256xf32>
      %eq3A_97 = arith.cmpf oeq, %get3A_33, %eq3A_96 : vector<128x256xf32>
      %not3A_98 = arith.constant dense<true> : vector<128x256xi1>
      %not3A_99 = arith.xori %or3A_89, %not3A_98 : vector<128x256xi1>
      %and3A_100 = arith.andi %eq3A_97, %not3A_99 : vector<128x256xi1>
      %jit3A_101 = arith.constant 256 : i32
      %broadcast_in_dim3A_102 = vector.broadcast %jit3A_101 : i32 to vector<128x256xi32>
      %select_n3A_103 = arith.select %and3A_100, %iota3A, %broadcast_in_dim3A_102 : vector<128x256xi1>, vector<128x256xi32>
      %reduce_min3A_104 = arith.constant dense<2147483647> : vector<128xi32>
      %reduce_min3A_105 = vector.multi_reduction <minsi>, %select_n3A_103, %reduce_min3A_104 [1] : vector<128x256xi32> to vector<128xi32>
      %broadcast_in_dim3A_106 = vector.shape_cast %reduce_min3A_105 : vector<128xi32> to vector<128x1xi32>
      %eq3A_107 = vector.broadcast %broadcast_in_dim3A_106 : vector<128x1xi32> to vector<128x256xi32>
      %eq3A_108 = arith.cmpi eq, %iota3A, %eq3A_107 : vector<128x256xi32>
      %or3A_109 = arith.ori %or3A_89, %eq3A_108 : vector<128x256xi1>
      %jit3A_110 = arith.constant -1.000000e+30 : f32
      %broadcast_in_dim3A_111 = vector.broadcast %jit3A_110 : f32 to vector<128x256xf32>
      %select_n3A_112 = arith.select %or3A_109, %broadcast_in_dim3A_111, %get3A_33 : vector<128x256xi1>, vector<128x256xf32>
      %reduce_max3A_113 = arith.constant dense<0xFF800000> : vector<128xf32>
      %reduce_max3A_114 = vector.multi_reduction <maximumf>, %select_n3A_112, %reduce_max3A_113 [1] : vector<128x256xf32> to vector<128xf32>
      %broadcast_in_dim3A_115 = vector.shape_cast %reduce_max3A_114 : vector<128xf32> to vector<128x1xf32>
      %eq3A_116 = vector.broadcast %broadcast_in_dim3A_115 : vector<128x1xf32> to vector<128x256xf32>
      %eq3A_117 = arith.cmpf oeq, %get3A_33, %eq3A_116 : vector<128x256xf32>
      %not3A_118 = arith.constant dense<true> : vector<128x256xi1>
      %not3A_119 = arith.xori %or3A_109, %not3A_118 : vector<128x256xi1>
      %and3A_120 = arith.andi %eq3A_117, %not3A_119 : vector<128x256xi1>
      %jit3A_121 = arith.constant 256 : i32
      %broadcast_in_dim3A_122 = vector.broadcast %jit3A_121 : i32 to vector<128x256xi32>
      %select_n3A_123 = arith.select %and3A_120, %iota3A, %broadcast_in_dim3A_122 : vector<128x256xi1>, vector<128x256xi32>
      %reduce_min3A_124 = arith.constant dense<2147483647> : vector<128xi32>
      %reduce_min3A_125 = vector.multi_reduction <minsi>, %select_n3A_123, %reduce_min3A_124 [1] : vector<128x256xi32> to vector<128xi32>
      %broadcast_in_dim3A_126 = vector.shape_cast %reduce_min3A_125 : vector<128xi32> to vector<128x1xi32>
      %eq3A_127 = vector.broadcast %broadcast_in_dim3A_126 : vector<128x1xi32> to vector<128x256xi32>
      %eq3A_128 = arith.cmpi eq, %iota3A, %eq3A_127 : vector<128x256xi32>
      %or3A_129 = arith.ori %or3A_109, %eq3A_128 : vector<128x256xi1>
      %jit3A_130 = arith.constant -1.000000e+30 : f32
      %broadcast_in_dim3A_131 = vector.broadcast %jit3A_130 : f32 to vector<128x256xf32>
      %select_n3A_132 = arith.select %or3A_129, %broadcast_in_dim3A_131, %get3A_33 : vector<128x256xi1>, vector<128x256xf32>
      %reduce_max3A_133 = arith.constant dense<0xFF800000> : vector<128xf32>
      %reduce_max3A_134 = vector.multi_reduction <maximumf>, %select_n3A_132, %reduce_max3A_133 [1] : vector<128x256xf32> to vector<128xf32>
      %broadcast_in_dim3A_135 = vector.shape_cast %reduce_max3A_134 : vector<128xf32> to vector<128x1xf32>
      %eq3A_136 = vector.broadcast %broadcast_in_dim3A_135 : vector<128x1xf32> to vector<128x256xf32>
      %eq3A_137 = arith.cmpf oeq, %get3A_33, %eq3A_136 : vector<128x256xf32>
      %not3A_138 = arith.constant dense<true> : vector<128x256xi1>
      %not3A_139 = arith.xori %or3A_129, %not3A_138 : vector<128x256xi1>
      %and3A_140 = arith.andi %eq3A_137, %not3A_139 : vector<128x256xi1>
      %jit3A_141 = arith.constant 256 : i32
      %broadcast_in_dim3A_142 = vector.broadcast %jit3A_141 : i32 to vector<128x256xi32>
      %select_n3A_143 = arith.select %and3A_140, %iota3A, %broadcast_in_dim3A_142 : vector<128x256xi1>, vector<128x256xi32>
      %reduce_min3A_144 = arith.constant dense<2147483647> : vector<128xi32>
      %reduce_min3A_145 = vector.multi_reduction <minsi>, %select_n3A_143, %reduce_min3A_144 [1] : vector<128x256xi32> to vector<128xi32>
      %broadcast_in_dim3A_146 = vector.shape_cast %reduce_min3A_145 : vector<128xi32> to vector<128x1xi32>
      %eq3A_147 = vector.broadcast %broadcast_in_dim3A_146 : vector<128x1xi32> to vector<128x256xi32>
      %eq3A_148 = arith.cmpi eq, %iota3A, %eq3A_147 : vector<128x256xi32>
      %or3A_149 = arith.ori %or3A_129, %eq3A_148 : vector<128x256xi1>
      %jit3A_150 = arith.constant -1.000000e+30 : f32
      %broadcast_in_dim3A_151 = vector.broadcast %jit3A_150 : f32 to vector<128x256xf32>
      %select_n3A_152 = arith.select %or3A_149, %broadcast_in_dim3A_151, %get3A_33 : vector<128x256xi1>, vector<128x256xf32>
      %reduce_max3A_153 = arith.constant dense<0xFF800000> : vector<128xf32>
      %reduce_max3A_154 = vector.multi_reduction <maximumf>, %select_n3A_152, %reduce_max3A_153 [1] : vector<128x256xf32> to vector<128xf32>
      %broadcast_in_dim3A_155 = vector.shape_cast %reduce_max3A_154 : vector<128xf32> to vector<128x1xf32>
      %eq3A_156 = vector.broadcast %broadcast_in_dim3A_155 : vector<128x1xf32> to vector<128x256xf32>
      %eq3A_157 = arith.cmpf oeq, %get3A_33, %eq3A_156 : vector<128x256xf32>
      %not3A_158 = arith.constant dense<true> : vector<128x256xi1>
      %not3A_159 = arith.xori %or3A_149, %not3A_158 : vector<128x256xi1>
      %and3A_160 = arith.andi %eq3A_157, %not3A_159 : vector<128x256xi1>
      %jit3A_161 = arith.constant 256 : i32
      %broadcast_in_dim3A_162 = vector.broadcast %jit3A_161 : i32 to vector<128x256xi32>
      %select_n3A_163 = arith.select %and3A_160, %iota3A, %broadcast_in_dim3A_162 : vector<128x256xi1>, vector<128x256xi32>
      %reduce_min3A_164 = arith.constant dense<2147483647> : vector<128xi32>
      %reduce_min3A_165 = vector.multi_reduction <minsi>, %select_n3A_163, %reduce_min3A_164 [1] : vector<128x256xi32> to vector<128xi32>
      %broadcast_in_dim3A_166 = vector.shape_cast %reduce_min3A_165 : vector<128xi32> to vector<128x1xi32>
      %eq3A_167 = vector.broadcast %broadcast_in_dim3A_166 : vector<128x1xi32> to vector<128x256xi32>
      %eq3A_168 = arith.cmpi eq, %iota3A, %eq3A_167 : vector<128x256xi32>
      %or3A_169 = arith.ori %or3A_149, %eq3A_168 : vector<128x256xi1>
      %jit3A_170 = arith.constant -1.000000e+30 : f32
      %broadcast_in_dim3A_171 = vector.broadcast %jit3A_170 : f32 to vector<128x256xf32>
      %select_n3A_172 = arith.select %or3A_169, %broadcast_in_dim3A_171, %get3A_33 : vector<128x256xi1>, vector<128x256xf32>
      %reduce_max3A_173 = arith.constant dense<0xFF800000> : vector<128xf32>
      %reduce_max3A_174 = vector.multi_reduction <maximumf>, %select_n3A_172, %reduce_max3A_173 [1] : vector<128x256xf32> to vector<128xf32>
      %broadcast_in_dim3A_175 = vector.shape_cast %reduce_max3A_174 : vector<128xf32> to vector<128x1xf32>
      %eq3A_176 = vector.broadcast %broadcast_in_dim3A_175 : vector<128x1xf32> to vector<128x256xf32>
      %eq3A_177 = arith.cmpf oeq, %get3A_33, %eq3A_176 : vector<128x256xf32>
      %not3A_178 = arith.constant dense<true> : vector<128x256xi1>
      %not3A_179 = arith.xori %or3A_169, %not3A_178 : vector<128x256xi1>
      %and3A_180 = arith.andi %eq3A_177, %not3A_179 : vector<128x256xi1>
      %jit3A_181 = arith.constant 256 : i32
      %broadcast_in_dim3A_182 = vector.broadcast %jit3A_181 : i32 to vector<128x256xi32>
      %select_n3A_183 = arith.select %and3A_180, %iota3A, %broadcast_in_dim3A_182 : vector<128x256xi1>, vector<128x256xi32>
      %reduce_min3A_184 = arith.constant dense<2147483647> : vector<128xi32>
      %reduce_min3A_185 = vector.multi_reduction <minsi>, %select_n3A_183, %reduce_min3A_184 [1] : vector<128x256xi32> to vector<128xi32>
      %broadcast_in_dim3A_186 = vector.shape_cast %reduce_min3A_185 : vector<128xi32> to vector<128x1xi32>
      %eq3A_187 = vector.broadcast %broadcast_in_dim3A_186 : vector<128x1xi32> to vector<128x256xi32>
      %eq3A_188 = arith.cmpi eq, %iota3A, %eq3A_187 : vector<128x256xi32>
      %or3A_189 = arith.ori %or3A_169, %eq3A_188 : vector<128x256xi1>
      %jit3A_190 = arith.constant -1.000000e+30 : f32
      %broadcast_in_dim3A_191 = vector.broadcast %jit3A_190 : f32 to vector<128x256xf32>
      %select_n3A_192 = arith.select %or3A_189, %broadcast_in_dim3A_191, %get3A_33 : vector<128x256xi1>, vector<128x256xf32>
      %reduce_max3A_193 = arith.constant dense<0xFF800000> : vector<128xf32>
      %reduce_max3A_194 = vector.multi_reduction <maximumf>, %select_n3A_192, %reduce_max3A_193 [1] : vector<128x256xf32> to vector<128xf32>
      %broadcast_in_dim3A_195 = vector.shape_cast %reduce_max3A_194 : vector<128xf32> to vector<128x1xf32>
      %eq3A_196 = vector.broadcast %broadcast_in_dim3A_195 : vector<128x1xf32> to vector<128x256xf32>
      %eq3A_197 = arith.cmpf oeq, %get3A_33, %eq3A_196 : vector<128x256xf32>
      %not3A_198 = arith.constant dense<true> : vector<128x256xi1>
      %not3A_199 = arith.xori %or3A_189, %not3A_198 : vector<128x256xi1>
      %and3A_200 = arith.andi %eq3A_197, %not3A_199 : vector<128x256xi1>
      %jit3A_201 = arith.constant 256 : i32
      %broadcast_in_dim3A_202 = vector.broadcast %jit3A_201 : i32 to vector<128x256xi32>
      %select_n3A_203 = arith.select %and3A_200, %iota3A, %broadcast_in_dim3A_202 : vector<128x256xi1>, vector<128x256xi32>
      %reduce_min3A_204 = arith.constant dense<2147483647> : vector<128xi32>
      %reduce_min3A_205 = vector.multi_reduction <minsi>, %select_n3A_203, %reduce_min3A_204 [1] : vector<128x256xi32> to vector<128xi32>
      %broadcast_in_dim3A_206 = vector.shape_cast %reduce_min3A_205 : vector<128xi32> to vector<128x1xi32>
      %eq3A_207 = vector.broadcast %broadcast_in_dim3A_206 : vector<128x1xi32> to vector<128x256xi32>
      %eq3A_208 = arith.cmpi eq, %iota3A, %eq3A_207 : vector<128x256xi32>
      %or3A_209 = arith.ori %or3A_189, %eq3A_208 : vector<128x256xi1>
      %jit3A_210 = arith.constant -1.000000e+30 : f32
      %broadcast_in_dim3A_211 = vector.broadcast %jit3A_210 : f32 to vector<128x256xf32>
      %select_n3A_212 = arith.select %or3A_209, %broadcast_in_dim3A_211, %get3A_33 : vector<128x256xi1>, vector<128x256xf32>
      %reduce_max3A_213 = arith.constant dense<0xFF800000> : vector<128xf32>
      %reduce_max3A_214 = vector.multi_reduction <maximumf>, %select_n3A_212, %reduce_max3A_213 [1] : vector<128x256xf32> to vector<128xf32>
      %broadcast_in_dim3A_215 = vector.shape_cast %reduce_max3A_214 : vector<128xf32> to vector<128x1xf32>
      %eq3A_216 = vector.broadcast %broadcast_in_dim3A_215 : vector<128x1xf32> to vector<128x256xf32>
      %eq3A_217 = arith.cmpf oeq, %get3A_33, %eq3A_216 : vector<128x256xf32>
      %not3A_218 = arith.constant dense<true> : vector<128x256xi1>
      %not3A_219 = arith.xori %or3A_209, %not3A_218 : vector<128x256xi1>
      %and3A_220 = arith.andi %eq3A_217, %not3A_219 : vector<128x256xi1>
      %jit3A_221 = arith.constant 256 : i32
      %broadcast_in_dim3A_222 = vector.broadcast %jit3A_221 : i32 to vector<128x256xi32>
      %select_n3A_223 = arith.select %and3A_220, %iota3A, %broadcast_in_dim3A_222 : vector<128x256xi1>, vector<128x256xi32>
      %reduce_min3A_224 = arith.constant dense<2147483647> : vector<128xi32>
      %reduce_min3A_225 = vector.multi_reduction <minsi>, %select_n3A_223, %reduce_min3A_224 [1] : vector<128x256xi32> to vector<128xi32>
      %broadcast_in_dim3A_226 = vector.shape_cast %reduce_min3A_225 : vector<128xi32> to vector<128x1xi32>
      %eq3A_227 = vector.broadcast %broadcast_in_dim3A_226 : vector<128x1xi32> to vector<128x256xi32>
      %eq3A_228 = arith.cmpi eq, %iota3A, %eq3A_227 : vector<128x256xi32>
      %or3A_229 = arith.ori %or3A_209, %eq3A_228 : vector<128x256xi1>
      %jit3A_230 = arith.constant -1.000000e+30 : f32
      %broadcast_in_dim3A_231 = vector.broadcast %jit3A_230 : f32 to vector<128x256xf32>
      %select_n3A_232 = arith.select %or3A_229, %broadcast_in_dim3A_231, %get3A_33 : vector<128x256xi1>, vector<128x256xf32>
      %reduce_max3A_233 = arith.constant dense<0xFF800000> : vector<128xf32>
      %reduce_max3A_234 = vector.multi_reduction <maximumf>, %select_n3A_232, %reduce_max3A_233 [1] : vector<128x256xf32> to vector<128xf32>
      %broadcast_in_dim3A_235 = vector.shape_cast %reduce_max3A_234 : vector<128xf32> to vector<128x1xf32>
      %eq3A_236 = vector.broadcast %broadcast_in_dim3A_235 : vector<128x1xf32> to vector<128x256xf32>
      %eq3A_237 = arith.cmpf oeq, %get3A_33, %eq3A_236 : vector<128x256xf32>
      %not3A_238 = arith.constant dense<true> : vector<128x256xi1>
      %not3A_239 = arith.xori %or3A_229, %not3A_238 : vector<128x256xi1>
      %and3A_240 = arith.andi %eq3A_237, %not3A_239 : vector<128x256xi1>
      %jit3A_241 = arith.constant 256 : i32
      %broadcast_in_dim3A_242 = vector.broadcast %jit3A_241 : i32 to vector<128x256xi32>
      %select_n3A_243 = arith.select %and3A_240, %iota3A, %broadcast_in_dim3A_242 : vector<128x256xi1>, vector<128x256xi32>
      %reduce_min3A_244 = arith.constant dense<2147483647> : vector<128xi32>
      %reduce_min3A_245 = vector.multi_reduction <minsi>, %select_n3A_243, %reduce_min3A_244 [1] : vector<128x256xi32> to vector<128xi32>
      %broadcast_in_dim3A_246 = vector.shape_cast %reduce_min3A_245 : vector<128xi32> to vector<128x1xi32>
      %eq3A_247 = vector.broadcast %broadcast_in_dim3A_246 : vector<128x1xi32> to vector<128x256xi32>
      %eq3A_248 = arith.cmpi eq, %iota3A, %eq3A_247 : vector<128x256xi32>
      %or3A_249 = arith.ori %or3A_229, %eq3A_248 : vector<128x256xi1>
      %jit3A_250 = arith.constant -1.000000e+30 : f32
      %broadcast_in_dim3A_251 = vector.broadcast %jit3A_250 : f32 to vector<128x256xf32>
      %select_n3A_252 = arith.select %or3A_249, %broadcast_in_dim3A_251, %get3A_33 : vector<128x256xi1>, vector<128x256xf32>
      %reduce_max3A_253 = arith.constant dense<0xFF800000> : vector<128xf32>
      %reduce_max3A_254 = vector.multi_reduction <maximumf>, %select_n3A_252, %reduce_max3A_253 [1] : vector<128x256xf32> to vector<128xf32>
      %broadcast_in_dim3A_255 = vector.shape_cast %reduce_max3A_254 : vector<128xf32> to vector<128x1xf32>
      %eq3A_256 = vector.broadcast %broadcast_in_dim3A_255 : vector<128x1xf32> to vector<128x256xf32>
      %eq3A_257 = arith.cmpf oeq, %get3A_33, %eq3A_256 : vector<128x256xf32>
      %not3A_258 = arith.constant dense<true> : vector<128x256xi1>
      %not3A_259 = arith.xori %or3A_249, %not3A_258 : vector<128x256xi1>
      %and3A_260 = arith.andi %eq3A_257, %not3A_259 : vector<128x256xi1>
      %jit3A_261 = arith.constant 256 : i32
      %broadcast_in_dim3A_262 = vector.broadcast %jit3A_261 : i32 to vector<128x256xi32>
      %select_n3A_263 = arith.select %and3A_260, %iota3A, %broadcast_in_dim3A_262 : vector<128x256xi1>, vector<128x256xi32>
      %reduce_min3A_264 = arith.constant dense<2147483647> : vector<128xi32>
      %reduce_min3A_265 = vector.multi_reduction <minsi>, %select_n3A_263, %reduce_min3A_264 [1] : vector<128x256xi32> to vector<128xi32>
      %broadcast_in_dim3A_266 = vector.shape_cast %reduce_min3A_265 : vector<128xi32> to vector<128x1xi32>
      %eq3A_267 = vector.broadcast %broadcast_in_dim3A_266 : vector<128x1xi32> to vector<128x256xi32>
      %eq3A_268 = arith.cmpi eq, %iota3A, %eq3A_267 : vector<128x256xi32>
      %or3A_269 = arith.ori %or3A_249, %eq3A_268 : vector<128x256xi1>
      %jit3A_270 = arith.constant -1.000000e+30 : f32
      %broadcast_in_dim3A_271 = vector.broadcast %jit3A_270 : f32 to vector<128x256xf32>
      %select_n3A_272 = arith.select %or3A_269, %broadcast_in_dim3A_271, %get3A_33 : vector<128x256xi1>, vector<128x256xf32>
      %reduce_max3A_273 = arith.constant dense<0xFF800000> : vector<128xf32>
      %reduce_max3A_274 = vector.multi_reduction <maximumf>, %select_n3A_272, %reduce_max3A_273 [1] : vector<128x256xf32> to vector<128xf32>
      %broadcast_in_dim3A_275 = vector.shape_cast %reduce_max3A_274 : vector<128xf32> to vector<128x1xf32>
      %eq3A_276 = vector.broadcast %broadcast_in_dim3A_275 : vector<128x1xf32> to vector<128x256xf32>
      %eq3A_277 = arith.cmpf oeq, %get3A_33, %eq3A_276 : vector<128x256xf32>
      %not3A_278 = arith.constant dense<true> : vector<128x256xi1>
      %not3A_279 = arith.xori %or3A_269, %not3A_278 : vector<128x256xi1>
      %and3A_280 = arith.andi %eq3A_277, %not3A_279 : vector<128x256xi1>
      %jit3A_281 = arith.constant 256 : i32
      %broadcast_in_dim3A_282 = vector.broadcast %jit3A_281 : i32 to vector<128x256xi32>
      %select_n3A_283 = arith.select %and3A_280, %iota3A, %broadcast_in_dim3A_282 : vector<128x256xi1>, vector<128x256xi32>
      %reduce_min3A_284 = arith.constant dense<2147483647> : vector<128xi32>
      %reduce_min3A_285 = vector.multi_reduction <minsi>, %select_n3A_283, %reduce_min3A_284 [1] : vector<128x256xi32> to vector<128xi32>
      %broadcast_in_dim3A_286 = vector.shape_cast %reduce_min3A_285 : vector<128xi32> to vector<128x1xi32>
      %eq3A_287 = vector.broadcast %broadcast_in_dim3A_286 : vector<128x1xi32> to vector<128x256xi32>
      %eq3A_288 = arith.cmpi eq, %iota3A, %eq3A_287 : vector<128x256xi32>
      %or3A_289 = arith.ori %or3A_269, %eq3A_288 : vector<128x256xi1>
      %jit3A_290 = arith.constant -1.000000e+30 : f32
      %broadcast_in_dim3A_291 = vector.broadcast %jit3A_290 : f32 to vector<128x256xf32>
      %select_n3A_292 = arith.select %or3A_289, %broadcast_in_dim3A_291, %get3A_33 : vector<128x256xi1>, vector<128x256xf32>
      %reduce_max3A_293 = arith.constant dense<0xFF800000> : vector<128xf32>
      %reduce_max3A_294 = vector.multi_reduction <maximumf>, %select_n3A_292, %reduce_max3A_293 [1] : vector<128x256xf32> to vector<128xf32>
      %broadcast_in_dim3A_295 = vector.shape_cast %reduce_max3A_294 : vector<128xf32> to vector<128x1xf32>
      %eq3A_296 = vector.broadcast %broadcast_in_dim3A_295 : vector<128x1xf32> to vector<128x256xf32>
      %eq3A_297 = arith.cmpf oeq, %get3A_33, %eq3A_296 : vector<128x256xf32>
      %not3A_298 = arith.constant dense<true> : vector<128x256xi1>
      %not3A_299 = arith.xori %or3A_289, %not3A_298 : vector<128x256xi1>
      %and3A_300 = arith.andi %eq3A_297, %not3A_299 : vector<128x256xi1>
      %jit3A_301 = arith.constant 256 : i32
      %broadcast_in_dim3A_302 = vector.broadcast %jit3A_301 : i32 to vector<128x256xi32>
      %select_n3A_303 = arith.select %and3A_300, %iota3A, %broadcast_in_dim3A_302 : vector<128x256xi1>, vector<128x256xi32>
      %reduce_min3A_304 = arith.constant dense<2147483647> : vector<128xi32>
      %reduce_min3A_305 = vector.multi_reduction <minsi>, %select_n3A_303, %reduce_min3A_304 [1] : vector<128x256xi32> to vector<128xi32>
      %broadcast_in_dim3A_306 = vector.shape_cast %reduce_min3A_305 : vector<128xi32> to vector<128x1xi32>
      %eq3A_307 = vector.broadcast %broadcast_in_dim3A_306 : vector<128x1xi32> to vector<128x256xi32>
      %eq3A_308 = arith.cmpi eq, %iota3A, %eq3A_307 : vector<128x256xi32>
      %or3A_309 = arith.ori %or3A_289, %eq3A_308 : vector<128x256xi1>
      %jit3A_310 = arith.constant -1.000000e+30 : f32
      %broadcast_in_dim3A_311 = vector.broadcast %jit3A_310 : f32 to vector<128x256xf32>
      %select_n3A_312 = arith.select %or3A_309, %broadcast_in_dim3A_311, %get3A_33 : vector<128x256xi1>, vector<128x256xf32>
      %reduce_max3A_313 = arith.constant dense<0xFF800000> : vector<128xf32>
      %reduce_max3A_314 = vector.multi_reduction <maximumf>, %select_n3A_312, %reduce_max3A_313 [1] : vector<128x256xf32> to vector<128xf32>
      %broadcast_in_dim3A_315 = vector.shape_cast %reduce_max3A_314 : vector<128xf32> to vector<128x1xf32>
      %eq3A_316 = vector.broadcast %broadcast_in_dim3A_315 : vector<128x1xf32> to vector<128x256xf32>
      %eq3A_317 = arith.cmpf oeq, %get3A_33, %eq3A_316 : vector<128x256xf32>
      %not3A_318 = arith.constant dense<true> : vector<128x256xi1>
      %not3A_319 = arith.xori %or3A_309, %not3A_318 : vector<128x256xi1>
      %and3A_320 = arith.andi %eq3A_317, %not3A_319 : vector<128x256xi1>
      %jit3A_321 = arith.constant 256 : i32
      %broadcast_in_dim3A_322 = vector.broadcast %jit3A_321 : i32 to vector<128x256xi32>
      %select_n3A_323 = arith.select %and3A_320, %iota3A, %broadcast_in_dim3A_322 : vector<128x256xi1>, vector<128x256xi32>
      %reduce_min3A_324 = arith.constant dense<2147483647> : vector<128xi32>
      %reduce_min3A_325 = vector.multi_reduction <minsi>, %select_n3A_323, %reduce_min3A_324 [1] : vector<128x256xi32> to vector<128xi32>
      %broadcast_in_dim3A_326 = vector.shape_cast %reduce_min3A_325 : vector<128xi32> to vector<128x1xi32>
      %eq3A_327 = vector.broadcast %broadcast_in_dim3A_326 : vector<128x1xi32> to vector<128x256xi32>
      %eq3A_328 = arith.cmpi eq, %iota3A, %eq3A_327 : vector<128x256xi32>
      %or3A_329 = arith.ori %or3A_309, %eq3A_328 : vector<128x256xi1>
      %jit3A_330 = arith.constant -1.000000e+30 : f32
      %broadcast_in_dim3A_331 = vector.broadcast %jit3A_330 : f32 to vector<128x256xf32>
      %select_n3A_332 = arith.select %or3A_329, %broadcast_in_dim3A_331, %get3A_33 : vector<128x256xi1>, vector<128x256xf32>
      %reduce_max3A_333 = arith.constant dense<0xFF800000> : vector<128xf32>
      %reduce_max3A_334 = vector.multi_reduction <maximumf>, %select_n3A_332, %reduce_max3A_333 [1] : vector<128x256xf32> to vector<128xf32>
      %broadcast_in_dim3A_335 = vector.shape_cast %reduce_max3A_334 : vector<128xf32> to vector<128x1xf32>
      %eq3A_336 = vector.broadcast %broadcast_in_dim3A_335 : vector<128x1xf32> to vector<128x256xf32>
      %eq3A_337 = arith.cmpf oeq, %get3A_33, %eq3A_336 : vector<128x256xf32>
      %not3A_338 = arith.constant dense<true> : vector<128x256xi1>
      %not3A_339 = arith.xori %or3A_329, %not3A_338 : vector<128x256xi1>
      %and3A_340 = arith.andi %eq3A_337, %not3A_339 : vector<128x256xi1>
      %jit3A_341 = arith.constant 256 : i32
      %broadcast_in_dim3A_342 = vector.broadcast %jit3A_341 : i32 to vector<128x256xi32>
      %select_n3A_343 = arith.select %and3A_340, %iota3A, %broadcast_in_dim3A_342 : vector<128x256xi1>, vector<128x256xi32>
      %reduce_min3A_344 = arith.constant dense<2147483647> : vector<128xi32>
      %reduce_min3A_345 = vector.multi_reduction <minsi>, %select_n3A_343, %reduce_min3A_344 [1] : vector<128x256xi32> to vector<128xi32>
      %broadcast_in_dim3A_346 = vector.shape_cast %reduce_min3A_345 : vector<128xi32> to vector<128x1xi32>
      %eq3A_347 = vector.broadcast %broadcast_in_dim3A_346 : vector<128x1xi32> to vector<128x256xi32>
      %eq3A_348 = arith.cmpi eq, %iota3A, %eq3A_347 : vector<128x256xi32>
      %or3A_349 = arith.ori %or3A_329, %eq3A_348 : vector<128x256xi1>
      %jit3A_350 = arith.constant -1.000000e+30 : f32
      %broadcast_in_dim3A_351 = vector.broadcast %jit3A_350 : f32 to vector<128x256xf32>
      %select_n3A_352 = arith.select %or3A_349, %broadcast_in_dim3A_351, %get3A_33 : vector<128x256xi1>, vector<128x256xf32>
      %reduce_max3A_353 = arith.constant dense<0xFF800000> : vector<128xf32>
      %reduce_max3A_354 = vector.multi_reduction <maximumf>, %select_n3A_352, %reduce_max3A_353 [1] : vector<128x256xf32> to vector<128xf32>
      %broadcast_in_dim3A_355 = vector.shape_cast %reduce_max3A_354 : vector<128xf32> to vector<128x1xf32>
      %eq3A_356 = vector.broadcast %broadcast_in_dim3A_355 : vector<128x1xf32> to vector<128x256xf32>
      %eq3A_357 = arith.cmpf oeq, %get3A_33, %eq3A_356 : vector<128x256xf32>
      %not3A_358 = arith.constant dense<true> : vector<128x256xi1>
      %not3A_359 = arith.xori %or3A_349, %not3A_358 : vector<128x256xi1>
      %and3A_360 = arith.andi %eq3A_357, %not3A_359 : vector<128x256xi1>
      %jit3A_361 = arith.constant 256 : i32
      %broadcast_in_dim3A_362 = vector.broadcast %jit3A_361 : i32 to vector<128x256xi32>
      %select_n3A_363 = arith.select %and3A_360, %iota3A, %broadcast_in_dim3A_362 : vector<128x256xi1>, vector<128x256xi32>
      %reduce_min3A_364 = arith.constant dense<2147483647> : vector<128xi32>
      %reduce_min3A_365 = vector.multi_reduction <minsi>, %select_n3A_363, %reduce_min3A_364 [1] : vector<128x256xi32> to vector<128xi32>
      %broadcast_in_dim3A_366 = vector.shape_cast %reduce_min3A_365 : vector<128xi32> to vector<128x1xi32>
      %eq3A_367 = vector.broadcast %broadcast_in_dim3A_366 : vector<128x1xi32> to vector<128x256xi32>
      %eq3A_368 = arith.cmpi eq, %iota3A, %eq3A_367 : vector<128x256xi32>
      %or3A_369 = arith.ori %or3A_349, %eq3A_368 : vector<128x256xi1>
      %jit3A_370 = arith.constant -1.000000e+30 : f32
      %broadcast_in_dim3A_371 = vector.broadcast %jit3A_370 : f32 to vector<128x256xf32>
      %select_n3A_372 = arith.select %or3A_369, %broadcast_in_dim3A_371, %get3A_33 : vector<128x256xi1>, vector<128x256xf32>
      %reduce_max3A_373 = arith.constant dense<0xFF800000> : vector<128xf32>
      %reduce_max3A_374 = vector.multi_reduction <maximumf>, %select_n3A_372, %reduce_max3A_373 [1] : vector<128x256xf32> to vector<128xf32>
      %broadcast_in_dim3A_375 = vector.shape_cast %reduce_max3A_374 : vector<128xf32> to vector<128x1xf32>
      %eq3A_376 = vector.broadcast %broadcast_in_dim3A_375 : vector<128x1xf32> to vector<128x256xf32>
      %eq3A_377 = arith.cmpf oeq, %get3A_33, %eq3A_376 : vector<128x256xf32>
      %not3A_378 = arith.constant dense<true> : vector<128x256xi1>
      %not3A_379 = arith.xori %or3A_369, %not3A_378 : vector<128x256xi1>
      %and3A_380 = arith.andi %eq3A_377, %not3A_379 : vector<128x256xi1>
      %jit3A_381 = arith.constant 256 : i32
      %broadcast_in_dim3A_382 = vector.broadcast %jit3A_381 : i32 to vector<128x256xi32>
      %select_n3A_383 = arith.select %and3A_380, %iota3A, %broadcast_in_dim3A_382 : vector<128x256xi1>, vector<128x256xi32>
      %reduce_min3A_384 = arith.constant dense<2147483647> : vector<128xi32>
      %reduce_min3A_385 = vector.multi_reduction <minsi>, %select_n3A_383, %reduce_min3A_384 [1] : vector<128x256xi32> to vector<128xi32>
      %broadcast_in_dim3A_386 = vector.shape_cast %reduce_min3A_385 : vector<128xi32> to vector<128x1xi32>
      %eq3A_387 = vector.broadcast %broadcast_in_dim3A_386 : vector<128x1xi32> to vector<128x256xi32>
      %eq3A_388 = arith.cmpi eq, %iota3A, %eq3A_387 : vector<128x256xi32>
      %or3A_389 = arith.ori %or3A_369, %eq3A_388 : vector<128x256xi1>
      %jit3A_390 = arith.constant -1.000000e+30 : f32
      %broadcast_in_dim3A_391 = vector.broadcast %jit3A_390 : f32 to vector<128x256xf32>
      %select_n3A_392 = arith.select %or3A_389, %broadcast_in_dim3A_391, %get3A_33 : vector<128x256xi1>, vector<128x256xf32>
      %reduce_max3A_393 = arith.constant dense<0xFF800000> : vector<128xf32>
      %reduce_max3A_394 = vector.multi_reduction <maximumf>, %select_n3A_392, %reduce_max3A_393 [1] : vector<128x256xf32> to vector<128xf32>
      %broadcast_in_dim3A_395 = vector.shape_cast %reduce_max3A_394 : vector<128xf32> to vector<128x1xf32>
      %eq3A_396 = vector.broadcast %broadcast_in_dim3A_395 : vector<128x1xf32> to vector<128x256xf32>
      %eq3A_397 = arith.cmpf oeq, %get3A_33, %eq3A_396 : vector<128x256xf32>
      %not3A_398 = arith.constant dense<true> : vector<128x256xi1>
      %not3A_399 = arith.xori %or3A_389, %not3A_398 : vector<128x256xi1>
      %and3A_400 = arith.andi %eq3A_397, %not3A_399 : vector<128x256xi1>
      %jit3A_401 = arith.constant 256 : i32
      %broadcast_in_dim3A_402 = vector.broadcast %jit3A_401 : i32 to vector<128x256xi32>
      %select_n3A_403 = arith.select %and3A_400, %iota3A, %broadcast_in_dim3A_402 : vector<128x256xi1>, vector<128x256xi32>
      %reduce_min3A_404 = arith.constant dense<2147483647> : vector<128xi32>
      %reduce_min3A_405 = vector.multi_reduction <minsi>, %select_n3A_403, %reduce_min3A_404 [1] : vector<128x256xi32> to vector<128xi32>
      %broadcast_in_dim3A_406 = vector.shape_cast %reduce_min3A_405 : vector<128xi32> to vector<128x1xi32>
      %eq3A_407 = vector.broadcast %broadcast_in_dim3A_406 : vector<128x1xi32> to vector<128x256xi32>
      %eq3A_408 = arith.cmpi eq, %iota3A, %eq3A_407 : vector<128x256xi32>
      %or3A_409 = arith.ori %or3A_389, %eq3A_408 : vector<128x256xi1>
      %jit3A_410 = arith.constant -1.000000e+30 : f32
      %broadcast_in_dim3A_411 = vector.broadcast %jit3A_410 : f32 to vector<128x256xf32>
      %select_n3A_412 = arith.select %or3A_409, %broadcast_in_dim3A_411, %get3A_33 : vector<128x256xi1>, vector<128x256xf32>
      %reduce_max3A_413 = arith.constant dense<0xFF800000> : vector<128xf32>
      %reduce_max3A_414 = vector.multi_reduction <maximumf>, %select_n3A_412, %reduce_max3A_413 [1] : vector<128x256xf32> to vector<128xf32>
      %broadcast_in_dim3A_415 = vector.shape_cast %reduce_max3A_414 : vector<128xf32> to vector<128x1xf32>
      %eq3A_416 = vector.broadcast %broadcast_in_dim3A_415 : vector<128x1xf32> to vector<128x256xf32>
      %eq3A_417 = arith.cmpf oeq, %get3A_33, %eq3A_416 : vector<128x256xf32>
      %not3A_418 = arith.constant dense<true> : vector<128x256xi1>
      %not3A_419 = arith.xori %or3A_409, %not3A_418 : vector<128x256xi1>
      %and3A_420 = arith.andi %eq3A_417, %not3A_419 : vector<128x256xi1>
      %jit3A_421 = arith.constant 256 : i32
      %broadcast_in_dim3A_422 = vector.broadcast %jit3A_421 : i32 to vector<128x256xi32>
      %select_n3A_423 = arith.select %and3A_420, %iota3A, %broadcast_in_dim3A_422 : vector<128x256xi1>, vector<128x256xi32>
      %reduce_min3A_424 = arith.constant dense<2147483647> : vector<128xi32>
      %reduce_min3A_425 = vector.multi_reduction <minsi>, %select_n3A_423, %reduce_min3A_424 [1] : vector<128x256xi32> to vector<128xi32>
      %broadcast_in_dim3A_426 = vector.shape_cast %reduce_min3A_425 : vector<128xi32> to vector<128x1xi32>
      %concatenate3A = tpu.concatenate %broadcast_in_dim3A_47, %broadcast_in_dim3A_66, %broadcast_in_dim3A_86, %broadcast_in_dim3A_106, %broadcast_in_dim3A_126, %broadcast_in_dim3A_146, %broadcast_in_dim3A_166, %broadcast_in_dim3A_186, %broadcast_in_dim3A_206, %broadcast_in_dim3A_226, %broadcast_in_dim3A_246, %broadcast_in_dim3A_266, %broadcast_in_dim3A_286, %broadcast_in_dim3A_306, %broadcast_in_dim3A_326, %broadcast_in_dim3A_346, %broadcast_in_dim3A_366, %broadcast_in_dim3A_386, %broadcast_in_dim3A_406, %broadcast_in_dim3A_426 in 1 : vector<128x1xi32>, vector<128x1xi32>, vector<128x1xi32>, vector<128x1xi32>, vector<128x1xi32>, vector<128x1xi32>, vector<128x1xi32>, vector<128x1xi32>, vector<128x1xi32>, vector<128x1xi32>, vector<128x1xi32>, vector<128x1xi32>, vector<128x1xi32>, vector<128x1xi32>, vector<128x1xi32>, vector<128x1xi32>, vector<128x1xi32>, vector<128x1xi32>, vector<128x1xi32>, vector<128x1xi32> -> vector<128x20xi32>
      %iota3A_427 = tpu.iota {dimensions = array<i32: 0>} : vector<128x1xi32>
      %mul3A_428 = arith.constant 256 : i32
      %mul3A_429 = vector.broadcast %mul3A_428 : i32 to vector<128x1xi32>
      %mul3A_430 = arith.muli %iota3A_427, %mul3A_429 : vector<128x1xi32>
      %add3A_431 = vector.broadcast %mul3A_430 : vector<128x1xi32> to vector<128x20xi32>
      %add3A_432 = arith.addi %concatenate3A, %add3A_431 : vector<128x20xi32>
      %swap3A_433 = arith.constant 0 : index
      %swap3A_434 = arith.constant 0 : index
      %swap3A_435 = vector.load %arg4[%swap3A_433, %swap3A_434] : memref<128x20xi32, #tpu.memory_space<vmem>>, vector<128x20xi32>
      tpu.vector_store %arg4[%swap3A_433, %swap3A_434], %add3A_432 {strides = array<i32>} : memref<128x20xi32, #tpu.memory_space<vmem>>, vector<128x20xi32>,
    } else {
    }
    return
  }
  func.func @transform_0(%arg0: i32) -> (i32, i32) {
    %c0_i32 = arith.constant 0 : i32
    %c0_i32_0 = arith.constant 0 : i32
    return %arg0, %c0_i32 : i32, i32
  }
  func.func @transform_1(%arg0: i32) -> (i32, i32) {
    %c0_i32 = arith.constant 0 : i32
    %c0_i32_0 = arith.constant 0 : i32
    return %arg0, %c0_i32 : i32, i32
  }
  func.func @transform_2(%arg0: i32) -> (i32, i32) {
    %c0_i32 = arith.constant 0 : i32
    %c0_i32_0 = arith.constant 0 : i32
    return %arg0, %c0_i32 : i32, i32
  }
  func.func @transform_3(%arg0: i32) -> (i32, i32) {
    %c0_i32 = arith.constant 0 : i32
    %c0_i32_0 = arith.constant 0 : i32
    %c0_i32_1 = arith.constant 0 : i32
    return %c0_i32, %c0_i32_0 : i32, i32
  }
}

module attributes {stable_mosaic.version = 14 : i64} {
  func.func @_stage_c_body(%arg0: memref<2560x128xf32, #tpu.memory_space<vmem>>, %arg1: memref<1x1xf32, #tpu.memory_space<vmem>>) attributes {dimension_semantics = [], scalar_prefetch = 0 : i64, scratch_operands = 0 : i64, tpu.core_type = #tpu.core_type<tc>} {
    %get3A = arith.constant 0 : index
    %get3A_0 = arith.constant 0 : index
    %get3A_1 = vector.load %arg0[%get3A, %get3A_0] : memref<2560x128xf32, #tpu.memory_space<vmem>>, vector<2560x128xf32>
    %reshape3A = vector.shape_cast %get3A_1 : vector<2560x128xf32> to vector<128x2560xf32>
    %broadcast_in_dim3A = arith.constant 1.000000e+30 : f32
    %broadcast_in_dim3A_2 = vector.broadcast %broadcast_in_dim3A : f32 to vector<128x1xf32>
    %broadcast_in_dim3A_3 = arith.constant -1.000000e+30 : f32
    %broadcast_in_dim3A_4 = vector.broadcast %broadcast_in_dim3A_3 : f32 to vector<128x1xf32>
    %broadcast_in_dim3A_5 = arith.constant false
    %broadcast_in_dim3A_6 = vector.broadcast %broadcast_in_dim3A_5 : i1 to vector<128x1xi1>
    %lt3A = vector.broadcast %broadcast_in_dim3A_2 : vector<128x1xf32> to vector<128x2560xf32>
    %lt3A_7 = arith.cmpf olt, %reshape3A, %lt3A : vector<128x2560xf32>
    %jit3A = arith.constant -1.000000e+30 : f32
    %broadcast_in_dim3A_8 = vector.broadcast %jit3A : f32 to vector<128x2560xf32>
    %select_n3A = arith.select %lt3A_7, %reshape3A, %broadcast_in_dim3A_8 : vector<128x2560xi1>, vector<128x2560xf32>
    %reduce_max3A = arith.constant dense<0xFF800000> : vector<128xf32>
    %reduce_max3A_9 = vector.multi_reduction <maximumf>, %select_n3A, %reduce_max3A [1] : vector<128x2560xf32> to vector<128xf32>
    %broadcast_in_dim3A_10 = vector.shape_cast %reduce_max3A_9 : vector<128xf32> to vector<128x1xf32>
    %ge3A = vector.broadcast %broadcast_in_dim3A_10 : vector<128x1xf32> to vector<128x2560xf32>
    %ge3A_11 = arith.cmpf oge, %reshape3A, %ge3A : vector<128x2560xf32>
    %convert_element_type3A = arith.extui %ge3A_11 : vector<128x2560xi1> to vector<128x2560xi32>
    %convert_element_type3A_12 = arith.sitofp %convert_element_type3A : vector<128x2560xi32> to vector<128x2560xf32>
    %reduce_sum3A = arith.constant dense<0.000000e+00> : vector<128xf32>
    %reduce_sum3A_13 = vector.multi_reduction <add>, %convert_element_type3A_12, %reduce_sum3A [1] : vector<128x2560xf32> to vector<128xf32>
    %broadcast_in_dim3A_14 = vector.shape_cast %reduce_sum3A_13 : vector<128xf32> to vector<128x1xf32>
    %ge3A_15 = arith.constant 2.000000e+01 : f32
    %ge3A_16 = vector.broadcast %ge3A_15 : f32 to vector<128x1xf32>
    %ge3A_17 = arith.cmpf oge, %broadcast_in_dim3A_14, %ge3A_16 : vector<128x1xf32>
    %not3A = arith.constant dense<true> : vector<128x1xi1>
    %not3A_18 = arith.xori %broadcast_in_dim3A_6, %not3A : vector<128x1xi1>
    %and3A = arith.andi %ge3A_17, %not3A_18 : vector<128x1xi1>
    %select_n3A_19 = arith.select %and3A, %broadcast_in_dim3A_10, %broadcast_in_dim3A_4 : vector<128x1xi1>, vector<128x1xf32>
    %or3A = arith.ori %broadcast_in_dim3A_6, %and3A : vector<128x1xi1>
    %select_n3A_20 = arith.select %or3A, %broadcast_in_dim3A_2, %broadcast_in_dim3A_10 : vector<128x1xi1>, vector<128x1xf32>
    %lt3A_21 = vector.broadcast %select_n3A_20 : vector<128x1xf32> to vector<128x2560xf32>
    %lt3A_22 = arith.cmpf olt, %reshape3A, %lt3A_21 : vector<128x2560xf32>
    %jit3A_23 = arith.constant -1.000000e+30 : f32
    %broadcast_in_dim3A_24 = vector.broadcast %jit3A_23 : f32 to vector<128x2560xf32>
    %select_n3A_25 = arith.select %lt3A_22, %reshape3A, %broadcast_in_dim3A_24 : vector<128x2560xi1>, vector<128x2560xf32>
    %reduce_max3A_26 = arith.constant dense<0xFF800000> : vector<128xf32>
    %reduce_max3A_27 = vector.multi_reduction <maximumf>, %select_n3A_25, %reduce_max3A_26 [1] : vector<128x2560xf32> to vector<128xf32>
    %broadcast_in_dim3A_28 = vector.shape_cast %reduce_max3A_27 : vector<128xf32> to vector<128x1xf32>
    %ge3A_29 = vector.broadcast %broadcast_in_dim3A_28 : vector<128x1xf32> to vector<128x2560xf32>
    %ge3A_30 = arith.cmpf oge, %reshape3A, %ge3A_29 : vector<128x2560xf32>
    %convert_element_type3A_31 = arith.extui %ge3A_30 : vector<128x2560xi1> to vector<128x2560xi32>
    %convert_element_type3A_32 = arith.sitofp %convert_element_type3A_31 : vector<128x2560xi32> to vector<128x2560xf32>
    %reduce_sum3A_33 = arith.constant dense<0.000000e+00> : vector<128xf32>
    %reduce_sum3A_34 = vector.multi_reduction <add>, %convert_element_type3A_32, %reduce_sum3A_33 [1] : vector<128x2560xf32> to vector<128xf32>
    %broadcast_in_dim3A_35 = vector.shape_cast %reduce_sum3A_34 : vector<128xf32> to vector<128x1xf32>
    %ge3A_36 = arith.constant 2.000000e+01 : f32
    %ge3A_37 = vector.broadcast %ge3A_36 : f32 to vector<128x1xf32>
    %ge3A_38 = arith.cmpf oge, %broadcast_in_dim3A_35, %ge3A_37 : vector<128x1xf32>
    %not3A_39 = arith.constant dense<true> : vector<128x1xi1>
    %not3A_40 = arith.xori %or3A, %not3A_39 : vector<128x1xi1>
    %and3A_41 = arith.andi %ge3A_38, %not3A_40 : vector<128x1xi1>
    %select_n3A_42 = arith.select %and3A_41, %broadcast_in_dim3A_28, %select_n3A_19 : vector<128x1xi1>, vector<128x1xf32>
    %or3A_43 = arith.ori %or3A, %and3A_41 : vector<128x1xi1>
    %select_n3A_44 = arith.select %or3A_43, %select_n3A_20, %broadcast_in_dim3A_28 : vector<128x1xi1>, vector<128x1xf32>
    %lt3A_45 = vector.broadcast %select_n3A_44 : vector<128x1xf32> to vector<128x2560xf32>
    %lt3A_46 = arith.cmpf olt, %reshape3A, %lt3A_45 : vector<128x2560xf32>
    %jit3A_47 = arith.constant -1.000000e+30 : f32
    %broadcast_in_dim3A_48 = vector.broadcast %jit3A_47 : f32 to vector<128x2560xf32>
    %select_n3A_49 = arith.select %lt3A_46, %reshape3A, %broadcast_in_dim3A_48 : vector<128x2560xi1>, vector<128x2560xf32>
    %reduce_max3A_50 = arith.constant dense<0xFF800000> : vector<128xf32>
    %reduce_max3A_51 = vector.multi_reduction <maximumf>, %select_n3A_49, %reduce_max3A_50 [1] : vector<128x2560xf32> to vector<128xf32>
    %broadcast_in_dim3A_52 = vector.shape_cast %reduce_max3A_51 : vector<128xf32> to vector<128x1xf32>
    %ge3A_53 = vector.broadcast %broadcast_in_dim3A_52 : vector<128x1xf32> to vector<128x2560xf32>
    %ge3A_54 = arith.cmpf oge, %reshape3A, %ge3A_53 : vector<128x2560xf32>
    %convert_element_type3A_55 = arith.extui %ge3A_54 : vector<128x2560xi1> to vector<128x2560xi32>
    %convert_element_type3A_56 = arith.sitofp %convert_element_type3A_55 : vector<128x2560xi32> to vector<128x2560xf32>
    %reduce_sum3A_57 = arith.constant dense<0.000000e+00> : vector<128xf32>
    %reduce_sum3A_58 = vector.multi_reduction <add>, %convert_element_type3A_56, %reduce_sum3A_57 [1] : vector<128x2560xf32> to vector<128xf32>
    %broadcast_in_dim3A_59 = vector.shape_cast %reduce_sum3A_58 : vector<128xf32> to vector<128x1xf32>
    %ge3A_60 = arith.constant 2.000000e+01 : f32
    %ge3A_61 = vector.broadcast %ge3A_60 : f32 to vector<128x1xf32>
    %ge3A_62 = arith.cmpf oge, %broadcast_in_dim3A_59, %ge3A_61 : vector<128x1xf32>
    %not3A_63 = arith.constant dense<true> : vector<128x1xi1>
    %not3A_64 = arith.xori %or3A_43, %not3A_63 : vector<128x1xi1>
    %and3A_65 = arith.andi %ge3A_62, %not3A_64 : vector<128x1xi1>
    %select_n3A_66 = arith.select %and3A_65, %broadcast_in_dim3A_52, %select_n3A_42 : vector<128x1xi1>, vector<128x1xf32>
    %or3A_67 = arith.ori %or3A_43, %and3A_65 : vector<128x1xi1>
    %select_n3A_68 = arith.select %or3A_67, %select_n3A_44, %broadcast_in_dim3A_52 : vector<128x1xi1>, vector<128x1xf32>
    %lt3A_69 = vector.broadcast %select_n3A_68 : vector<128x1xf32> to vector<128x2560xf32>
    %lt3A_70 = arith.cmpf olt, %reshape3A, %lt3A_69 : vector<128x2560xf32>
    %jit3A_71 = arith.constant -1.000000e+30 : f32
    %broadcast_in_dim3A_72 = vector.broadcast %jit3A_71 : f32 to vector<128x2560xf32>
    %select_n3A_73 = arith.select %lt3A_70, %reshape3A, %broadcast_in_dim3A_72 : vector<128x2560xi1>, vector<128x2560xf32>
    %reduce_max3A_74 = arith.constant dense<0xFF800000> : vector<128xf32>
    %reduce_max3A_75 = vector.multi_reduction <maximumf>, %select_n3A_73, %reduce_max3A_74 [1] : vector<128x2560xf32> to vector<128xf32>
    %broadcast_in_dim3A_76 = vector.shape_cast %reduce_max3A_75 : vector<128xf32> to vector<128x1xf32>
    %ge3A_77 = vector.broadcast %broadcast_in_dim3A_76 : vector<128x1xf32> to vector<128x2560xf32>
    %ge3A_78 = arith.cmpf oge, %reshape3A, %ge3A_77 : vector<128x2560xf32>
    %convert_element_type3A_79 = arith.extui %ge3A_78 : vector<128x2560xi1> to vector<128x2560xi32>
    %convert_element_type3A_80 = arith.sitofp %convert_element_type3A_79 : vector<128x2560xi32> to vector<128x2560xf32>
    %reduce_sum3A_81 = arith.constant dense<0.000000e+00> : vector<128xf32>
    %reduce_sum3A_82 = vector.multi_reduction <add>, %convert_element_type3A_80, %reduce_sum3A_81 [1] : vector<128x2560xf32> to vector<128xf32>
    %broadcast_in_dim3A_83 = vector.shape_cast %reduce_sum3A_82 : vector<128xf32> to vector<128x1xf32>
    %ge3A_84 = arith.constant 2.000000e+01 : f32
    %ge3A_85 = vector.broadcast %ge3A_84 : f32 to vector<128x1xf32>
    %ge3A_86 = arith.cmpf oge, %broadcast_in_dim3A_83, %ge3A_85 : vector<128x1xf32>
    %not3A_87 = arith.constant dense<true> : vector<128x1xi1>
    %not3A_88 = arith.xori %or3A_67, %not3A_87 : vector<128x1xi1>
    %and3A_89 = arith.andi %ge3A_86, %not3A_88 : vector<128x1xi1>
    %select_n3A_90 = arith.select %and3A_89, %broadcast_in_dim3A_76, %select_n3A_66 : vector<128x1xi1>, vector<128x1xf32>
    %or3A_91 = arith.ori %or3A_67, %and3A_89 : vector<128x1xi1>
    %select_n3A_92 = arith.select %or3A_91, %select_n3A_68, %broadcast_in_dim3A_76 : vector<128x1xi1>, vector<128x1xf32>
    %lt3A_93 = vector.broadcast %select_n3A_92 : vector<128x1xf32> to vector<128x2560xf32>
    %lt3A_94 = arith.cmpf olt, %reshape3A, %lt3A_93 : vector<128x2560xf32>
    %jit3A_95 = arith.constant -1.000000e+30 : f32
    %broadcast_in_dim3A_96 = vector.broadcast %jit3A_95 : f32 to vector<128x2560xf32>
    %select_n3A_97 = arith.select %lt3A_94, %reshape3A, %broadcast_in_dim3A_96 : vector<128x2560xi1>, vector<128x2560xf32>
    %reduce_max3A_98 = arith.constant dense<0xFF800000> : vector<128xf32>
    %reduce_max3A_99 = vector.multi_reduction <maximumf>, %select_n3A_97, %reduce_max3A_98 [1] : vector<128x2560xf32> to vector<128xf32>
    %broadcast_in_dim3A_100 = vector.shape_cast %reduce_max3A_99 : vector<128xf32> to vector<128x1xf32>
    %ge3A_101 = vector.broadcast %broadcast_in_dim3A_100 : vector<128x1xf32> to vector<128x2560xf32>
    %ge3A_102 = arith.cmpf oge, %reshape3A, %ge3A_101 : vector<128x2560xf32>
    %convert_element_type3A_103 = arith.extui %ge3A_102 : vector<128x2560xi1> to vector<128x2560xi32>
    %convert_element_type3A_104 = arith.sitofp %convert_element_type3A_103 : vector<128x2560xi32> to vector<128x2560xf32>
    %reduce_sum3A_105 = arith.constant dense<0.000000e+00> : vector<128xf32>
    %reduce_sum3A_106 = vector.multi_reduction <add>, %convert_element_type3A_104, %reduce_sum3A_105 [1] : vector<128x2560xf32> to vector<128xf32>
    %broadcast_in_dim3A_107 = vector.shape_cast %reduce_sum3A_106 : vector<128xf32> to vector<128x1xf32>
    %ge3A_108 = arith.constant 2.000000e+01 : f32
    %ge3A_109 = vector.broadcast %ge3A_108 : f32 to vector<128x1xf32>
    %ge3A_110 = arith.cmpf oge, %broadcast_in_dim3A_107, %ge3A_109 : vector<128x1xf32>
    %not3A_111 = arith.constant dense<true> : vector<128x1xi1>
    %not3A_112 = arith.xori %or3A_91, %not3A_111 : vector<128x1xi1>
    %and3A_113 = arith.andi %ge3A_110, %not3A_112 : vector<128x1xi1>
    %select_n3A_114 = arith.select %and3A_113, %broadcast_in_dim3A_100, %select_n3A_90 : vector<128x1xi1>, vector<128x1xf32>
    %or3A_115 = arith.ori %or3A_91, %and3A_113 : vector<128x1xi1>
    %select_n3A_116 = arith.select %or3A_115, %select_n3A_92, %broadcast_in_dim3A_100 : vector<128x1xi1>, vector<128x1xf32>
    %lt3A_117 = vector.broadcast %select_n3A_116 : vector<128x1xf32> to vector<128x2560xf32>
    %lt3A_118 = arith.cmpf olt, %reshape3A, %lt3A_117 : vector<128x2560xf32>
    %jit3A_119 = arith.constant -1.000000e+30 : f32
    %broadcast_in_dim3A_120 = vector.broadcast %jit3A_119 : f32 to vector<128x2560xf32>
    %select_n3A_121 = arith.select %lt3A_118, %reshape3A, %broadcast_in_dim3A_120 : vector<128x2560xi1>, vector<128x2560xf32>
    %reduce_max3A_122 = arith.constant dense<0xFF800000> : vector<128xf32>
    %reduce_max3A_123 = vector.multi_reduction <maximumf>, %select_n3A_121, %reduce_max3A_122 [1] : vector<128x2560xf32> to vector<128xf32>
    %broadcast_in_dim3A_124 = vector.shape_cast %reduce_max3A_123 : vector<128xf32> to vector<128x1xf32>
    %ge3A_125 = vector.broadcast %broadcast_in_dim3A_124 : vector<128x1xf32> to vector<128x2560xf32>
    %ge3A_126 = arith.cmpf oge, %reshape3A, %ge3A_125 : vector<128x2560xf32>
    %convert_element_type3A_127 = arith.extui %ge3A_126 : vector<128x2560xi1> to vector<128x2560xi32>
    %convert_element_type3A_128 = arith.sitofp %convert_element_type3A_127 : vector<128x2560xi32> to vector<128x2560xf32>
    %reduce_sum3A_129 = arith.constant dense<0.000000e+00> : vector<128xf32>
    %reduce_sum3A_130 = vector.multi_reduction <add>, %convert_element_type3A_128, %reduce_sum3A_129 [1] : vector<128x2560xf32> to vector<128xf32>
    %broadcast_in_dim3A_131 = vector.shape_cast %reduce_sum3A_130 : vector<128xf32> to vector<128x1xf32>
    %ge3A_132 = arith.constant 2.000000e+01 : f32
    %ge3A_133 = vector.broadcast %ge3A_132 : f32 to vector<128x1xf32>
    %ge3A_134 = arith.cmpf oge, %broadcast_in_dim3A_131, %ge3A_133 : vector<128x1xf32>
    %not3A_135 = arith.constant dense<true> : vector<128x1xi1>
    %not3A_136 = arith.xori %or3A_115, %not3A_135 : vector<128x1xi1>
    %and3A_137 = arith.andi %ge3A_134, %not3A_136 : vector<128x1xi1>
    %select_n3A_138 = arith.select %and3A_137, %broadcast_in_dim3A_124, %select_n3A_114 : vector<128x1xi1>, vector<128x1xf32>
    %or3A_139 = arith.ori %or3A_115, %and3A_137 : vector<128x1xi1>
    %select_n3A_140 = arith.select %or3A_139, %select_n3A_116, %broadcast_in_dim3A_124 : vector<128x1xi1>, vector<128x1xf32>
    %lt3A_141 = vector.broadcast %select_n3A_140 : vector<128x1xf32> to vector<128x2560xf32>
    %lt3A_142 = arith.cmpf olt, %reshape3A, %lt3A_141 : vector<128x2560xf32>
    %jit3A_143 = arith.constant -1.000000e+30 : f32
    %broadcast_in_dim3A_144 = vector.broadcast %jit3A_143 : f32 to vector<128x2560xf32>
    %select_n3A_145 = arith.select %lt3A_142, %reshape3A, %broadcast_in_dim3A_144 : vector<128x2560xi1>, vector<128x2560xf32>
    %reduce_max3A_146 = arith.constant dense<0xFF800000> : vector<128xf32>
    %reduce_max3A_147 = vector.multi_reduction <maximumf>, %select_n3A_145, %reduce_max3A_146 [1] : vector<128x2560xf32> to vector<128xf32>
    %broadcast_in_dim3A_148 = vector.shape_cast %reduce_max3A_147 : vector<128xf32> to vector<128x1xf32>
    %ge3A_149 = vector.broadcast %broadcast_in_dim3A_148 : vector<128x1xf32> to vector<128x2560xf32>
    %ge3A_150 = arith.cmpf oge, %reshape3A, %ge3A_149 : vector<128x2560xf32>
    %convert_element_type3A_151 = arith.extui %ge3A_150 : vector<128x2560xi1> to vector<128x2560xi32>
    %convert_element_type3A_152 = arith.sitofp %convert_element_type3A_151 : vector<128x2560xi32> to vector<128x2560xf32>
    %reduce_sum3A_153 = arith.constant dense<0.000000e+00> : vector<128xf32>
    %reduce_sum3A_154 = vector.multi_reduction <add>, %convert_element_type3A_152, %reduce_sum3A_153 [1] : vector<128x2560xf32> to vector<128xf32>
    %broadcast_in_dim3A_155 = vector.shape_cast %reduce_sum3A_154 : vector<128xf32> to vector<128x1xf32>
    %ge3A_156 = arith.constant 2.000000e+01 : f32
    %ge3A_157 = vector.broadcast %ge3A_156 : f32 to vector<128x1xf32>
    %ge3A_158 = arith.cmpf oge, %broadcast_in_dim3A_155, %ge3A_157 : vector<128x1xf32>
    %not3A_159 = arith.constant dense<true> : vector<128x1xi1>
    %not3A_160 = arith.xori %or3A_139, %not3A_159 : vector<128x1xi1>
    %and3A_161 = arith.andi %ge3A_158, %not3A_160 : vector<128x1xi1>
    %select_n3A_162 = arith.select %and3A_161, %broadcast_in_dim3A_148, %select_n3A_138 : vector<128x1xi1>, vector<128x1xf32>
    %or3A_163 = arith.ori %or3A_139, %and3A_161 : vector<128x1xi1>
    %select_n3A_164 = arith.select %or3A_163, %select_n3A_140, %broadcast_in_dim3A_148 : vector<128x1xi1>, vector<128x1xf32>
    %lt3A_165 = vector.broadcast %select_n3A_164 : vector<128x1xf32> to vector<128x2560xf32>
    %lt3A_166 = arith.cmpf olt, %reshape3A, %lt3A_165 : vector<128x2560xf32>
    %jit3A_167 = arith.constant -1.000000e+30 : f32
    %broadcast_in_dim3A_168 = vector.broadcast %jit3A_167 : f32 to vector<128x2560xf32>
    %select_n3A_169 = arith.select %lt3A_166, %reshape3A, %broadcast_in_dim3A_168 : vector<128x2560xi1>, vector<128x2560xf32>
    %reduce_max3A_170 = arith.constant dense<0xFF800000> : vector<128xf32>
    %reduce_max3A_171 = vector.multi_reduction <maximumf>, %select_n3A_169, %reduce_max3A_170 [1] : vector<128x2560xf32> to vector<128xf32>
    %broadcast_in_dim3A_172 = vector.shape_cast %reduce_max3A_171 : vector<128xf32> to vector<128x1xf32>
    %ge3A_173 = vector.broadcast %broadcast_in_dim3A_172 : vector<128x1xf32> to vector<128x2560xf32>
    %ge3A_174 = arith.cmpf oge, %reshape3A, %ge3A_173 : vector<128x2560xf32>
    %convert_element_type3A_175 = arith.extui %ge3A_174 : vector<128x2560xi1> to vector<128x2560xi32>
    %convert_element_type3A_176 = arith.sitofp %convert_element_type3A_175 : vector<128x2560xi32> to vector<128x2560xf32>
    %reduce_sum3A_177 = arith.constant dense<0.000000e+00> : vector<128xf32>
    %reduce_sum3A_178 = vector.multi_reduction <add>, %convert_element_type3A_176, %reduce_sum3A_177 [1] : vector<128x2560xf32> to vector<128xf32>
    %broadcast_in_dim3A_179 = vector.shape_cast %reduce_sum3A_178 : vector<128xf32> to vector<128x1xf32>
    %ge3A_180 = arith.constant 2.000000e+01 : f32
    %ge3A_181 = vector.broadcast %ge3A_180 : f32 to vector<128x1xf32>
    %ge3A_182 = arith.cmpf oge, %broadcast_in_dim3A_179, %ge3A_181 : vector<128x1xf32>
    %not3A_183 = arith.constant dense<true> : vector<128x1xi1>
    %not3A_184 = arith.xori %or3A_163, %not3A_183 : vector<128x1xi1>
    %and3A_185 = arith.andi %ge3A_182, %not3A_184 : vector<128x1xi1>
    %select_n3A_186 = arith.select %and3A_185, %broadcast_in_dim3A_172, %select_n3A_162 : vector<128x1xi1>, vector<128x1xf32>
    %or3A_187 = arith.ori %or3A_163, %and3A_185 : vector<128x1xi1>
    %select_n3A_188 = arith.select %or3A_187, %select_n3A_164, %broadcast_in_dim3A_172 : vector<128x1xi1>, vector<128x1xf32>
    %lt3A_189 = vector.broadcast %select_n3A_188 : vector<128x1xf32> to vector<128x2560xf32>
    %lt3A_190 = arith.cmpf olt, %reshape3A, %lt3A_189 : vector<128x2560xf32>
    %jit3A_191 = arith.constant -1.000000e+30 : f32
    %broadcast_in_dim3A_192 = vector.broadcast %jit3A_191 : f32 to vector<128x2560xf32>
    %select_n3A_193 = arith.select %lt3A_190, %reshape3A, %broadcast_in_dim3A_192 : vector<128x2560xi1>, vector<128x2560xf32>
    %reduce_max3A_194 = arith.constant dense<0xFF800000> : vector<128xf32>
    %reduce_max3A_195 = vector.multi_reduction <maximumf>, %select_n3A_193, %reduce_max3A_194 [1] : vector<128x2560xf32> to vector<128xf32>
    %broadcast_in_dim3A_196 = vector.shape_cast %reduce_max3A_195 : vector<128xf32> to vector<128x1xf32>
    %ge3A_197 = vector.broadcast %broadcast_in_dim3A_196 : vector<128x1xf32> to vector<128x2560xf32>
    %ge3A_198 = arith.cmpf oge, %reshape3A, %ge3A_197 : vector<128x2560xf32>
    %convert_element_type3A_199 = arith.extui %ge3A_198 : vector<128x2560xi1> to vector<128x2560xi32>
    %convert_element_type3A_200 = arith.sitofp %convert_element_type3A_199 : vector<128x2560xi32> to vector<128x2560xf32>
    %reduce_sum3A_201 = arith.constant dense<0.000000e+00> : vector<128xf32>
    %reduce_sum3A_202 = vector.multi_reduction <add>, %convert_element_type3A_200, %reduce_sum3A_201 [1] : vector<128x2560xf32> to vector<128xf32>
    %broadcast_in_dim3A_203 = vector.shape_cast %reduce_sum3A_202 : vector<128xf32> to vector<128x1xf32>
    %ge3A_204 = arith.constant 2.000000e+01 : f32
    %ge3A_205 = vector.broadcast %ge3A_204 : f32 to vector<128x1xf32>
    %ge3A_206 = arith.cmpf oge, %broadcast_in_dim3A_203, %ge3A_205 : vector<128x1xf32>
    %not3A_207 = arith.constant dense<true> : vector<128x1xi1>
    %not3A_208 = arith.xori %or3A_187, %not3A_207 : vector<128x1xi1>
    %and3A_209 = arith.andi %ge3A_206, %not3A_208 : vector<128x1xi1>
    %select_n3A_210 = arith.select %and3A_209, %broadcast_in_dim3A_196, %select_n3A_186 : vector<128x1xi1>, vector<128x1xf32>
    %or3A_211 = arith.ori %or3A_187, %and3A_209 : vector<128x1xi1>
    %select_n3A_212 = arith.select %or3A_211, %select_n3A_188, %broadcast_in_dim3A_196 : vector<128x1xi1>, vector<128x1xf32>
    %lt3A_213 = vector.broadcast %select_n3A_212 : vector<128x1xf32> to vector<128x2560xf32>
    %lt3A_214 = arith.cmpf olt, %reshape3A, %lt3A_213 : vector<128x2560xf32>
    %jit3A_215 = arith.constant -1.000000e+30 : f32
    %broadcast_in_dim3A_216 = vector.broadcast %jit3A_215 : f32 to vector<128x2560xf32>
    %select_n3A_217 = arith.select %lt3A_214, %reshape3A, %broadcast_in_dim3A_216 : vector<128x2560xi1>, vector<128x2560xf32>
    %reduce_max3A_218 = arith.constant dense<0xFF800000> : vector<128xf32>
    %reduce_max3A_219 = vector.multi_reduction <maximumf>, %select_n3A_217, %reduce_max3A_218 [1] : vector<128x2560xf32> to vector<128xf32>
    %broadcast_in_dim3A_220 = vector.shape_cast %reduce_max3A_219 : vector<128xf32> to vector<128x1xf32>
    %ge3A_221 = vector.broadcast %broadcast_in_dim3A_220 : vector<128x1xf32> to vector<128x2560xf32>
    %ge3A_222 = arith.cmpf oge, %reshape3A, %ge3A_221 : vector<128x2560xf32>
    %convert_element_type3A_223 = arith.extui %ge3A_222 : vector<128x2560xi1> to vector<128x2560xi32>
    %convert_element_type3A_224 = arith.sitofp %convert_element_type3A_223 : vector<128x2560xi32> to vector<128x2560xf32>
    %reduce_sum3A_225 = arith.constant dense<0.000000e+00> : vector<128xf32>
    %reduce_sum3A_226 = vector.multi_reduction <add>, %convert_element_type3A_224, %reduce_sum3A_225 [1] : vector<128x2560xf32> to vector<128xf32>
    %broadcast_in_dim3A_227 = vector.shape_cast %reduce_sum3A_226 : vector<128xf32> to vector<128x1xf32>
    %ge3A_228 = arith.constant 2.000000e+01 : f32
    %ge3A_229 = vector.broadcast %ge3A_228 : f32 to vector<128x1xf32>
    %ge3A_230 = arith.cmpf oge, %broadcast_in_dim3A_227, %ge3A_229 : vector<128x1xf32>
    %not3A_231 = arith.constant dense<true> : vector<128x1xi1>
    %not3A_232 = arith.xori %or3A_211, %not3A_231 : vector<128x1xi1>
    %and3A_233 = arith.andi %ge3A_230, %not3A_232 : vector<128x1xi1>
    %select_n3A_234 = arith.select %and3A_233, %broadcast_in_dim3A_220, %select_n3A_210 : vector<128x1xi1>, vector<128x1xf32>
    %or3A_235 = arith.ori %or3A_211, %and3A_233 : vector<128x1xi1>
    %select_n3A_236 = arith.select %or3A_235, %select_n3A_212, %broadcast_in_dim3A_220 : vector<128x1xi1>, vector<128x1xf32>
    %lt3A_237 = vector.broadcast %select_n3A_236 : vector<128x1xf32> to vector<128x2560xf32>
    %lt3A_238 = arith.cmpf olt, %reshape3A, %lt3A_237 : vector<128x2560xf32>
    %jit3A_239 = arith.constant -1.000000e+30 : f32
    %broadcast_in_dim3A_240 = vector.broadcast %jit3A_239 : f32 to vector<128x2560xf32>
    %select_n3A_241 = arith.select %lt3A_238, %reshape3A, %broadcast_in_dim3A_240 : vector<128x2560xi1>, vector<128x2560xf32>
    %reduce_max3A_242 = arith.constant dense<0xFF800000> : vector<128xf32>
    %reduce_max3A_243 = vector.multi_reduction <maximumf>, %select_n3A_241, %reduce_max3A_242 [1] : vector<128x2560xf32> to vector<128xf32>
    %broadcast_in_dim3A_244 = vector.shape_cast %reduce_max3A_243 : vector<128xf32> to vector<128x1xf32>
    %ge3A_245 = vector.broadcast %broadcast_in_dim3A_244 : vector<128x1xf32> to vector<128x2560xf32>
    %ge3A_246 = arith.cmpf oge, %reshape3A, %ge3A_245 : vector<128x2560xf32>
    %convert_element_type3A_247 = arith.extui %ge3A_246 : vector<128x2560xi1> to vector<128x2560xi32>
    %convert_element_type3A_248 = arith.sitofp %convert_element_type3A_247 : vector<128x2560xi32> to vector<128x2560xf32>
    %reduce_sum3A_249 = arith.constant dense<0.000000e+00> : vector<128xf32>
    %reduce_sum3A_250 = vector.multi_reduction <add>, %convert_element_type3A_248, %reduce_sum3A_249 [1] : vector<128x2560xf32> to vector<128xf32>
    %broadcast_in_dim3A_251 = vector.shape_cast %reduce_sum3A_250 : vector<128xf32> to vector<128x1xf32>
    %ge3A_252 = arith.constant 2.000000e+01 : f32
    %ge3A_253 = vector.broadcast %ge3A_252 : f32 to vector<128x1xf32>
    %ge3A_254 = arith.cmpf oge, %broadcast_in_dim3A_251, %ge3A_253 : vector<128x1xf32>
    %not3A_255 = arith.constant dense<true> : vector<128x1xi1>
    %not3A_256 = arith.xori %or3A_235, %not3A_255 : vector<128x1xi1>
    %and3A_257 = arith.andi %ge3A_254, %not3A_256 : vector<128x1xi1>
    %select_n3A_258 = arith.select %and3A_257, %broadcast_in_dim3A_244, %select_n3A_234 : vector<128x1xi1>, vector<128x1xf32>
    %or3A_259 = arith.ori %or3A_235, %and3A_257 : vector<128x1xi1>
    %select_n3A_260 = arith.select %or3A_259, %select_n3A_236, %broadcast_in_dim3A_244 : vector<128x1xi1>, vector<128x1xf32>
    %lt3A_261 = vector.broadcast %select_n3A_260 : vector<128x1xf32> to vector<128x2560xf32>
    %lt3A_262 = arith.cmpf olt, %reshape3A, %lt3A_261 : vector<128x2560xf32>
    %jit3A_263 = arith.constant -1.000000e+30 : f32
    %broadcast_in_dim3A_264 = vector.broadcast %jit3A_263 : f32 to vector<128x2560xf32>
    %select_n3A_265 = arith.select %lt3A_262, %reshape3A, %broadcast_in_dim3A_264 : vector<128x2560xi1>, vector<128x2560xf32>
    %reduce_max3A_266 = arith.constant dense<0xFF800000> : vector<128xf32>
    %reduce_max3A_267 = vector.multi_reduction <maximumf>, %select_n3A_265, %reduce_max3A_266 [1] : vector<128x2560xf32> to vector<128xf32>
    %broadcast_in_dim3A_268 = vector.shape_cast %reduce_max3A_267 : vector<128xf32> to vector<128x1xf32>
    %ge3A_269 = vector.broadcast %broadcast_in_dim3A_268 : vector<128x1xf32> to vector<128x2560xf32>
    %ge3A_270 = arith.cmpf oge, %reshape3A, %ge3A_269 : vector<128x2560xf32>
    %convert_element_type3A_271 = arith.extui %ge3A_270 : vector<128x2560xi1> to vector<128x2560xi32>
    %convert_element_type3A_272 = arith.sitofp %convert_element_type3A_271 : vector<128x2560xi32> to vector<128x2560xf32>
    %reduce_sum3A_273 = arith.constant dense<0.000000e+00> : vector<128xf32>
    %reduce_sum3A_274 = vector.multi_reduction <add>, %convert_element_type3A_272, %reduce_sum3A_273 [1] : vector<128x2560xf32> to vector<128xf32>
    %broadcast_in_dim3A_275 = vector.shape_cast %reduce_sum3A_274 : vector<128xf32> to vector<128x1xf32>
    %ge3A_276 = arith.constant 2.000000e+01 : f32
    %ge3A_277 = vector.broadcast %ge3A_276 : f32 to vector<128x1xf32>
    %ge3A_278 = arith.cmpf oge, %broadcast_in_dim3A_275, %ge3A_277 : vector<128x1xf32>
    %not3A_279 = arith.constant dense<true> : vector<128x1xi1>
    %not3A_280 = arith.xori %or3A_259, %not3A_279 : vector<128x1xi1>
    %and3A_281 = arith.andi %ge3A_278, %not3A_280 : vector<128x1xi1>
    %select_n3A_282 = arith.select %and3A_281, %broadcast_in_dim3A_268, %select_n3A_258 : vector<128x1xi1>, vector<128x1xf32>
    %or3A_283 = arith.ori %or3A_259, %and3A_281 : vector<128x1xi1>
    %select_n3A_284 = arith.select %or3A_283, %select_n3A_260, %broadcast_in_dim3A_268 : vector<128x1xi1>, vector<128x1xf32>
    %lt3A_285 = vector.broadcast %select_n3A_284 : vector<128x1xf32> to vector<128x2560xf32>
    %lt3A_286 = arith.cmpf olt, %reshape3A, %lt3A_285 : vector<128x2560xf32>
    %jit3A_287 = arith.constant -1.000000e+30 : f32
    %broadcast_in_dim3A_288 = vector.broadcast %jit3A_287 : f32 to vector<128x2560xf32>
    %select_n3A_289 = arith.select %lt3A_286, %reshape3A, %broadcast_in_dim3A_288 : vector<128x2560xi1>, vector<128x2560xf32>
    %reduce_max3A_290 = arith.constant dense<0xFF800000> : vector<128xf32>
    %reduce_max3A_291 = vector.multi_reduction <maximumf>, %select_n3A_289, %reduce_max3A_290 [1] : vector<128x2560xf32> to vector<128xf32>
    %broadcast_in_dim3A_292 = vector.shape_cast %reduce_max3A_291 : vector<128xf32> to vector<128x1xf32>
    %ge3A_293 = vector.broadcast %broadcast_in_dim3A_292 : vector<128x1xf32> to vector<128x2560xf32>
    %ge3A_294 = arith.cmpf oge, %reshape3A, %ge3A_293 : vector<128x2560xf32>
    %convert_element_type3A_295 = arith.extui %ge3A_294 : vector<128x2560xi1> to vector<128x2560xi32>
    %convert_element_type3A_296 = arith.sitofp %convert_element_type3A_295 : vector<128x2560xi32> to vector<128x2560xf32>
    %reduce_sum3A_297 = arith.constant dense<0.000000e+00> : vector<128xf32>
    %reduce_sum3A_298 = vector.multi_reduction <add>, %convert_element_type3A_296, %reduce_sum3A_297 [1] : vector<128x2560xf32> to vector<128xf32>
    %broadcast_in_dim3A_299 = vector.shape_cast %reduce_sum3A_298 : vector<128xf32> to vector<128x1xf32>
    %ge3A_300 = arith.constant 2.000000e+01 : f32
    %ge3A_301 = vector.broadcast %ge3A_300 : f32 to vector<128x1xf32>
    %ge3A_302 = arith.cmpf oge, %broadcast_in_dim3A_299, %ge3A_301 : vector<128x1xf32>
    %not3A_303 = arith.constant dense<true> : vector<128x1xi1>
    %not3A_304 = arith.xori %or3A_283, %not3A_303 : vector<128x1xi1>
    %and3A_305 = arith.andi %ge3A_302, %not3A_304 : vector<128x1xi1>
    %select_n3A_306 = arith.select %and3A_305, %broadcast_in_dim3A_292, %select_n3A_282 : vector<128x1xi1>, vector<128x1xf32>
    %or3A_307 = arith.ori %or3A_283, %and3A_305 : vector<128x1xi1>
    %select_n3A_308 = arith.select %or3A_307, %select_n3A_284, %broadcast_in_dim3A_292 : vector<128x1xi1>, vector<128x1xf32>
    %lt3A_309 = vector.broadcast %select_n3A_308 : vector<128x1xf32> to vector<128x2560xf32>
    %lt3A_310 = arith.cmpf olt, %reshape3A, %lt3A_309 : vector<128x2560xf32>
    %jit3A_311 = arith.constant -1.000000e+30 : f32
    %broadcast_in_dim3A_312 = vector.broadcast %jit3A_311 : f32 to vector<128x2560xf32>
    %select_n3A_313 = arith.select %lt3A_310, %reshape3A, %broadcast_in_dim3A_312 : vector<128x2560xi1>, vector<128x2560xf32>
    %reduce_max3A_314 = arith.constant dense<0xFF800000> : vector<128xf32>
    %reduce_max3A_315 = vector.multi_reduction <maximumf>, %select_n3A_313, %reduce_max3A_314 [1] : vector<128x2560xf32> to vector<128xf32>
    %broadcast_in_dim3A_316 = vector.shape_cast %reduce_max3A_315 : vector<128xf32> to vector<128x1xf32>
    %ge3A_317 = vector.broadcast %broadcast_in_dim3A_316 : vector<128x1xf32> to vector<128x2560xf32>
    %ge3A_318 = arith.cmpf oge, %reshape3A, %ge3A_317 : vector<128x2560xf32>
    %convert_element_type3A_319 = arith.extui %ge3A_318 : vector<128x2560xi1> to vector<128x2560xi32>
    %convert_element_type3A_320 = arith.sitofp %convert_element_type3A_319 : vector<128x2560xi32> to vector<128x2560xf32>
    %reduce_sum3A_321 = arith.constant dense<0.000000e+00> : vector<128xf32>
    %reduce_sum3A_322 = vector.multi_reduction <add>, %convert_element_type3A_320, %reduce_sum3A_321 [1] : vector<128x2560xf32> to vector<128xf32>
    %broadcast_in_dim3A_323 = vector.shape_cast %reduce_sum3A_322 : vector<128xf32> to vector<128x1xf32>
    %ge3A_324 = arith.constant 2.000000e+01 : f32
    %ge3A_325 = vector.broadcast %ge3A_324 : f32 to vector<128x1xf32>
    %ge3A_326 = arith.cmpf oge, %broadcast_in_dim3A_323, %ge3A_325 : vector<128x1xf32>
    %not3A_327 = arith.constant dense<true> : vector<128x1xi1>
    %not3A_328 = arith.xori %or3A_307, %not3A_327 : vector<128x1xi1>
    %and3A_329 = arith.andi %ge3A_326, %not3A_328 : vector<128x1xi1>
    %select_n3A_330 = arith.select %and3A_329, %broadcast_in_dim3A_316, %select_n3A_306 : vector<128x1xi1>, vector<128x1xf32>
    %or3A_331 = arith.ori %or3A_307, %and3A_329 : vector<128x1xi1>
    %select_n3A_332 = arith.select %or3A_331, %select_n3A_308, %broadcast_in_dim3A_316 : vector<128x1xi1>, vector<128x1xf32>
    %lt3A_333 = vector.broadcast %select_n3A_332 : vector<128x1xf32> to vector<128x2560xf32>
    %lt3A_334 = arith.cmpf olt, %reshape3A, %lt3A_333 : vector<128x2560xf32>
    %jit3A_335 = arith.constant -1.000000e+30 : f32
    %broadcast_in_dim3A_336 = vector.broadcast %jit3A_335 : f32 to vector<128x2560xf32>
    %select_n3A_337 = arith.select %lt3A_334, %reshape3A, %broadcast_in_dim3A_336 : vector<128x2560xi1>, vector<128x2560xf32>
    %reduce_max3A_338 = arith.constant dense<0xFF800000> : vector<128xf32>
    %reduce_max3A_339 = vector.multi_reduction <maximumf>, %select_n3A_337, %reduce_max3A_338 [1] : vector<128x2560xf32> to vector<128xf32>
    %broadcast_in_dim3A_340 = vector.shape_cast %reduce_max3A_339 : vector<128xf32> to vector<128x1xf32>
    %ge3A_341 = vector.broadcast %broadcast_in_dim3A_340 : vector<128x1xf32> to vector<128x2560xf32>
    %ge3A_342 = arith.cmpf oge, %reshape3A, %ge3A_341 : vector<128x2560xf32>
    %convert_element_type3A_343 = arith.extui %ge3A_342 : vector<128x2560xi1> to vector<128x2560xi32>
    %convert_element_type3A_344 = arith.sitofp %convert_element_type3A_343 : vector<128x2560xi32> to vector<128x2560xf32>
    %reduce_sum3A_345 = arith.constant dense<0.000000e+00> : vector<128xf32>
    %reduce_sum3A_346 = vector.multi_reduction <add>, %convert_element_type3A_344, %reduce_sum3A_345 [1] : vector<128x2560xf32> to vector<128xf32>
    %broadcast_in_dim3A_347 = vector.shape_cast %reduce_sum3A_346 : vector<128xf32> to vector<128x1xf32>
    %ge3A_348 = arith.constant 2.000000e+01 : f32
    %ge3A_349 = vector.broadcast %ge3A_348 : f32 to vector<128x1xf32>
    %ge3A_350 = arith.cmpf oge, %broadcast_in_dim3A_347, %ge3A_349 : vector<128x1xf32>
    %not3A_351 = arith.constant dense<true> : vector<128x1xi1>
    %not3A_352 = arith.xori %or3A_331, %not3A_351 : vector<128x1xi1>
    %and3A_353 = arith.andi %ge3A_350, %not3A_352 : vector<128x1xi1>
    %select_n3A_354 = arith.select %and3A_353, %broadcast_in_dim3A_340, %select_n3A_330 : vector<128x1xi1>, vector<128x1xf32>
    %or3A_355 = arith.ori %or3A_331, %and3A_353 : vector<128x1xi1>
    %select_n3A_356 = arith.select %or3A_355, %select_n3A_332, %broadcast_in_dim3A_340 : vector<128x1xi1>, vector<128x1xf32>
    %lt3A_357 = vector.broadcast %select_n3A_356 : vector<128x1xf32> to vector<128x2560xf32>
    %lt3A_358 = arith.cmpf olt, %reshape3A, %lt3A_357 : vector<128x2560xf32>
    %jit3A_359 = arith.constant -1.000000e+30 : f32
    %broadcast_in_dim3A_360 = vector.broadcast %jit3A_359 : f32 to vector<128x2560xf32>
    %select_n3A_361 = arith.select %lt3A_358, %reshape3A, %broadcast_in_dim3A_360 : vector<128x2560xi1>, vector<128x2560xf32>
    %reduce_max3A_362 = arith.constant dense<0xFF800000> : vector<128xf32>
    %reduce_max3A_363 = vector.multi_reduction <maximumf>, %select_n3A_361, %reduce_max3A_362 [1] : vector<128x2560xf32> to vector<128xf32>
    %broadcast_in_dim3A_364 = vector.shape_cast %reduce_max3A_363 : vector<128xf32> to vector<128x1xf32>
    %ge3A_365 = vector.broadcast %broadcast_in_dim3A_364 : vector<128x1xf32> to vector<128x2560xf32>
    %ge3A_366 = arith.cmpf oge, %reshape3A, %ge3A_365 : vector<128x2560xf32>
    %convert_element_type3A_367 = arith.extui %ge3A_366 : vector<128x2560xi1> to vector<128x2560xi32>
    %convert_element_type3A_368 = arith.sitofp %convert_element_type3A_367 : vector<128x2560xi32> to vector<128x2560xf32>
    %reduce_sum3A_369 = arith.constant dense<0.000000e+00> : vector<128xf32>
    %reduce_sum3A_370 = vector.multi_reduction <add>, %convert_element_type3A_368, %reduce_sum3A_369 [1] : vector<128x2560xf32> to vector<128xf32>
    %broadcast_in_dim3A_371 = vector.shape_cast %reduce_sum3A_370 : vector<128xf32> to vector<128x1xf32>
    %ge3A_372 = arith.constant 2.000000e+01 : f32
    %ge3A_373 = vector.broadcast %ge3A_372 : f32 to vector<128x1xf32>
    %ge3A_374 = arith.cmpf oge, %broadcast_in_dim3A_371, %ge3A_373 : vector<128x1xf32>
    %not3A_375 = arith.constant dense<true> : vector<128x1xi1>
    %not3A_376 = arith.xori %or3A_355, %not3A_375 : vector<128x1xi1>
    %and3A_377 = arith.andi %ge3A_374, %not3A_376 : vector<128x1xi1>
    %select_n3A_378 = arith.select %and3A_377, %broadcast_in_dim3A_364, %select_n3A_354 : vector<128x1xi1>, vector<128x1xf32>
    %or3A_379 = arith.ori %or3A_355, %and3A_377 : vector<128x1xi1>
    %select_n3A_380 = arith.select %or3A_379, %select_n3A_356, %broadcast_in_dim3A_364 : vector<128x1xi1>, vector<128x1xf32>
    %lt3A_381 = vector.broadcast %select_n3A_380 : vector<128x1xf32> to vector<128x2560xf32>
    %lt3A_382 = arith.cmpf olt, %reshape3A, %lt3A_381 : vector<128x2560xf32>
    %jit3A_383 = arith.constant -1.000000e+30 : f32
    %broadcast_in_dim3A_384 = vector.broadcast %jit3A_383 : f32 to vector<128x2560xf32>
    %select_n3A_385 = arith.select %lt3A_382, %reshape3A, %broadcast_in_dim3A_384 : vector<128x2560xi1>, vector<128x2560xf32>
    %reduce_max3A_386 = arith.constant dense<0xFF800000> : vector<128xf32>
    %reduce_max3A_387 = vector.multi_reduction <maximumf>, %select_n3A_385, %reduce_max3A_386 [1] : vector<128x2560xf32> to vector<128xf32>
    %broadcast_in_dim3A_388 = vector.shape_cast %reduce_max3A_387 : vector<128xf32> to vector<128x1xf32>
    %ge3A_389 = vector.broadcast %broadcast_in_dim3A_388 : vector<128x1xf32> to vector<128x2560xf32>
    %ge3A_390 = arith.cmpf oge, %reshape3A, %ge3A_389 : vector<128x2560xf32>
    %convert_element_type3A_391 = arith.extui %ge3A_390 : vector<128x2560xi1> to vector<128x2560xi32>
    %convert_element_type3A_392 = arith.sitofp %convert_element_type3A_391 : vector<128x2560xi32> to vector<128x2560xf32>
    %reduce_sum3A_393 = arith.constant dense<0.000000e+00> : vector<128xf32>
    %reduce_sum3A_394 = vector.multi_reduction <add>, %convert_element_type3A_392, %reduce_sum3A_393 [1] : vector<128x2560xf32> to vector<128xf32>
    %broadcast_in_dim3A_395 = vector.shape_cast %reduce_sum3A_394 : vector<128xf32> to vector<128x1xf32>
    %ge3A_396 = arith.constant 2.000000e+01 : f32
    %ge3A_397 = vector.broadcast %ge3A_396 : f32 to vector<128x1xf32>
    %ge3A_398 = arith.cmpf oge, %broadcast_in_dim3A_395, %ge3A_397 : vector<128x1xf32>
    %not3A_399 = arith.constant dense<true> : vector<128x1xi1>
    %not3A_400 = arith.xori %or3A_379, %not3A_399 : vector<128x1xi1>
    %and3A_401 = arith.andi %ge3A_398, %not3A_400 : vector<128x1xi1>
    %select_n3A_402 = arith.select %and3A_401, %broadcast_in_dim3A_388, %select_n3A_378 : vector<128x1xi1>, vector<128x1xf32>
    %or3A_403 = arith.ori %or3A_379, %and3A_401 : vector<128x1xi1>
    %select_n3A_404 = arith.select %or3A_403, %select_n3A_380, %broadcast_in_dim3A_388 : vector<128x1xi1>, vector<128x1xf32>
    %lt3A_405 = vector.broadcast %select_n3A_404 : vector<128x1xf32> to vector<128x2560xf32>
    %lt3A_406 = arith.cmpf olt, %reshape3A, %lt3A_405 : vector<128x2560xf32>
    %jit3A_407 = arith.constant -1.000000e+30 : f32
    %broadcast_in_dim3A_408 = vector.broadcast %jit3A_407 : f32 to vector<128x2560xf32>
    %select_n3A_409 = arith.select %lt3A_406, %reshape3A, %broadcast_in_dim3A_408 : vector<128x2560xi1>, vector<128x2560xf32>
    %reduce_max3A_410 = arith.constant dense<0xFF800000> : vector<128xf32>
    %reduce_max3A_411 = vector.multi_reduction <maximumf>, %select_n3A_409, %reduce_max3A_410 [1] : vector<128x2560xf32> to vector<128xf32>
    %broadcast_in_dim3A_412 = vector.shape_cast %reduce_max3A_411 : vector<128xf32> to vector<128x1xf32>
    %ge3A_413 = vector.broadcast %broadcast_in_dim3A_412 : vector<128x1xf32> to vector<128x2560xf32>
    %ge3A_414 = arith.cmpf oge, %reshape3A, %ge3A_413 : vector<128x2560xf32>
    %convert_element_type3A_415 = arith.extui %ge3A_414 : vector<128x2560xi1> to vector<128x2560xi32>
    %convert_element_type3A_416 = arith.sitofp %convert_element_type3A_415 : vector<128x2560xi32> to vector<128x2560xf32>
    %reduce_sum3A_417 = arith.constant dense<0.000000e+00> : vector<128xf32>
    %reduce_sum3A_418 = vector.multi_reduction <add>, %convert_element_type3A_416, %reduce_sum3A_417 [1] : vector<128x2560xf32> to vector<128xf32>
    %broadcast_in_dim3A_419 = vector.shape_cast %reduce_sum3A_418 : vector<128xf32> to vector<128x1xf32>
    %ge3A_420 = arith.constant 2.000000e+01 : f32
    %ge3A_421 = vector.broadcast %ge3A_420 : f32 to vector<128x1xf32>
    %ge3A_422 = arith.cmpf oge, %broadcast_in_dim3A_419, %ge3A_421 : vector<128x1xf32>
    %not3A_423 = arith.constant dense<true> : vector<128x1xi1>
    %not3A_424 = arith.xori %or3A_403, %not3A_423 : vector<128x1xi1>
    %and3A_425 = arith.andi %ge3A_422, %not3A_424 : vector<128x1xi1>
    %select_n3A_426 = arith.select %and3A_425, %broadcast_in_dim3A_412, %select_n3A_402 : vector<128x1xi1>, vector<128x1xf32>
    %or3A_427 = arith.ori %or3A_403, %and3A_425 : vector<128x1xi1>
    %select_n3A_428 = arith.select %or3A_427, %select_n3A_404, %broadcast_in_dim3A_412 : vector<128x1xi1>, vector<128x1xf32>
    %lt3A_429 = vector.broadcast %select_n3A_428 : vector<128x1xf32> to vector<128x2560xf32>
    %lt3A_430 = arith.cmpf olt, %reshape3A, %lt3A_429 : vector<128x2560xf32>
    %jit3A_431 = arith.constant -1.000000e+30 : f32
    %broadcast_in_dim3A_432 = vector.broadcast %jit3A_431 : f32 to vector<128x2560xf32>
    %select_n3A_433 = arith.select %lt3A_430, %reshape3A, %broadcast_in_dim3A_432 : vector<128x2560xi1>, vector<128x2560xf32>
    %reduce_max3A_434 = arith.constant dense<0xFF800000> : vector<128xf32>
    %reduce_max3A_435 = vector.multi_reduction <maximumf>, %select_n3A_433, %reduce_max3A_434 [1] : vector<128x2560xf32> to vector<128xf32>
    %broadcast_in_dim3A_436 = vector.shape_cast %reduce_max3A_435 : vector<128xf32> to vector<128x1xf32>
    %ge3A_437 = vector.broadcast %broadcast_in_dim3A_436 : vector<128x1xf32> to vector<128x2560xf32>
    %ge3A_438 = arith.cmpf oge, %reshape3A, %ge3A_437 : vector<128x2560xf32>
    %convert_element_type3A_439 = arith.extui %ge3A_438 : vector<128x2560xi1> to vector<128x2560xi32>
    %convert_element_type3A_440 = arith.sitofp %convert_element_type3A_439 : vector<128x2560xi32> to vector<128x2560xf32>
    %reduce_sum3A_441 = arith.constant dense<0.000000e+00> : vector<128xf32>
    %reduce_sum3A_442 = vector.multi_reduction <add>, %convert_element_type3A_440, %reduce_sum3A_441 [1] : vector<128x2560xf32> to vector<128xf32>
    %broadcast_in_dim3A_443 = vector.shape_cast %reduce_sum3A_442 : vector<128xf32> to vector<128x1xf32>
    %ge3A_444 = arith.constant 2.000000e+01 : f32
    %ge3A_445 = vector.broadcast %ge3A_444 : f32 to vector<128x1xf32>
    %ge3A_446 = arith.cmpf oge, %broadcast_in_dim3A_443, %ge3A_445 : vector<128x1xf32>
    %not3A_447 = arith.constant dense<true> : vector<128x1xi1>
    %not3A_448 = arith.xori %or3A_427, %not3A_447 : vector<128x1xi1>
    %and3A_449 = arith.andi %ge3A_446, %not3A_448 : vector<128x1xi1>
    %select_n3A_450 = arith.select %and3A_449, %broadcast_in_dim3A_436, %select_n3A_426 : vector<128x1xi1>, vector<128x1xf32>
    %or3A_451 = arith.ori %or3A_427, %and3A_449 : vector<128x1xi1>
    %select_n3A_452 = arith.select %or3A_451, %select_n3A_428, %broadcast_in_dim3A_436 : vector<128x1xi1>, vector<128x1xf32>
    %lt3A_453 = vector.broadcast %select_n3A_452 : vector<128x1xf32> to vector<128x2560xf32>
    %lt3A_454 = arith.cmpf olt, %reshape3A, %lt3A_453 : vector<128x2560xf32>
    %jit3A_455 = arith.constant -1.000000e+30 : f32
    %broadcast_in_dim3A_456 = vector.broadcast %jit3A_455 : f32 to vector<128x2560xf32>
    %select_n3A_457 = arith.select %lt3A_454, %reshape3A, %broadcast_in_dim3A_456 : vector<128x2560xi1>, vector<128x2560xf32>
    %reduce_max3A_458 = arith.constant dense<0xFF800000> : vector<128xf32>
    %reduce_max3A_459 = vector.multi_reduction <maximumf>, %select_n3A_457, %reduce_max3A_458 [1] : vector<128x2560xf32> to vector<128xf32>
    %broadcast_in_dim3A_460 = vector.shape_cast %reduce_max3A_459 : vector<128xf32> to vector<128x1xf32>
    %ge3A_461 = vector.broadcast %broadcast_in_dim3A_460 : vector<128x1xf32> to vector<128x2560xf32>
    %ge3A_462 = arith.cmpf oge, %reshape3A, %ge3A_461 : vector<128x2560xf32>
    %convert_element_type3A_463 = arith.extui %ge3A_462 : vector<128x2560xi1> to vector<128x2560xi32>
    %convert_element_type3A_464 = arith.sitofp %convert_element_type3A_463 : vector<128x2560xi32> to vector<128x2560xf32>
    %reduce_sum3A_465 = arith.constant dense<0.000000e+00> : vector<128xf32>
    %reduce_sum3A_466 = vector.multi_reduction <add>, %convert_element_type3A_464, %reduce_sum3A_465 [1] : vector<128x2560xf32> to vector<128xf32>
    %broadcast_in_dim3A_467 = vector.shape_cast %reduce_sum3A_466 : vector<128xf32> to vector<128x1xf32>
    %ge3A_468 = arith.constant 2.000000e+01 : f32
    %ge3A_469 = vector.broadcast %ge3A_468 : f32 to vector<128x1xf32>
    %ge3A_470 = arith.cmpf oge, %broadcast_in_dim3A_467, %ge3A_469 : vector<128x1xf32>
    %not3A_471 = arith.constant dense<true> : vector<128x1xi1>
    %not3A_472 = arith.xori %or3A_451, %not3A_471 : vector<128x1xi1>
    %and3A_473 = arith.andi %ge3A_470, %not3A_472 : vector<128x1xi1>
    %select_n3A_474 = arith.select %and3A_473, %broadcast_in_dim3A_460, %select_n3A_450 : vector<128x1xi1>, vector<128x1xf32>
    %gt3A = vector.broadcast %select_n3A_474 : vector<128x1xf32> to vector<128x2560xf32>
    %gt3A_475 = arith.cmpf ogt, %reshape3A, %gt3A : vector<128x2560xf32>
    %jit3A_476 = arith.constant 0.000000e+00 : f32
    %broadcast_in_dim3A_477 = vector.broadcast %jit3A_476 : f32 to vector<128x2560xf32>
    %select_n3A_478 = arith.select %gt3A_475, %reshape3A, %broadcast_in_dim3A_477 : vector<128x2560xi1>, vector<128x2560xf32>
    %reduce_sum3A_479 = arith.constant dense<0.000000e+00> : vector<128xf32>
    %reduce_sum3A_480 = vector.multi_reduction <add>, %select_n3A_478, %reduce_sum3A_479 [1] : vector<128x2560xf32> to vector<128xf32>
    %broadcast_in_dim3A_481 = vector.shape_cast %reduce_sum3A_480 : vector<128xf32> to vector<128x1xf32>
    %convert_element_type3A_482 = arith.extui %gt3A_475 : vector<128x2560xi1> to vector<128x2560xi32>
    %convert_element_type3A_483 = arith.sitofp %convert_element_type3A_482 : vector<128x2560xi32> to vector<128x2560xf32>
    %reduce_sum3A_484 = arith.constant dense<0.000000e+00> : vector<128xf32>
    %reduce_sum3A_485 = vector.multi_reduction <add>, %convert_element_type3A_483, %reduce_sum3A_484 [1] : vector<128x2560xf32> to vector<128xf32>
    %broadcast_in_dim3A_486 = vector.shape_cast %reduce_sum3A_485 : vector<128xf32> to vector<128x1xf32>
    %sub3A = arith.constant 2.000000e+01 : f32
    %sub3A_487 = vector.broadcast %sub3A : f32 to vector<128x1xf32>
    %sub3A_488 = arith.subf %sub3A_487, %broadcast_in_dim3A_486 : vector<128x1xf32>
    %mul3A = arith.mulf %sub3A_488, %select_n3A_474 : vector<128x1xf32>
    %add3A = arith.addf %broadcast_in_dim3A_481, %mul3A : vector<128x1xf32>
    %reduce_sum3A_489 = vector.shape_cast %add3A : vector<128x1xf32> to vector<1x128x1xf32>
    %reduce_sum3A_490 = arith.constant dense<0.000000e+00> : vector<1xf32>
    %reduce_sum3A_491 = vector.multi_reduction <add>, %reduce_sum3A_489, %reduce_sum3A_490 [1, 2] : vector<1x128x1xf32> to vector<1xf32>
    %reduce_sum3A_492 = vector.shape_cast %reduce_sum3A_491 : vector<1xf32> to vector<1x1x1xf32>
    %reduce_sum3A_493 = vector.extract %reduce_sum3A_492[0, 0, 0] : f32 from vector<1x1x1xf32>
    %mul3A_494 = arith.constant 3.906250e-04 : f32
    %mul3A_495 = arith.mulf %reduce_sum3A_493, %mul3A_494 : f32
    %reshape3A_496 = vector.broadcast %mul3A_495 : f32 to vector<1x1xf32>
    %swap3A = arith.constant 0 : index
    %swap3A_497 = arith.constant 0 : index
    %swap3A_498 = vector.load %arg1[%swap3A, %swap3A_497] : memref<1x1xf32, #tpu.memory_space<vmem>>, vector<1x1xf32>
    tpu.vector_store %arg1[%swap3A, %swap3A_497], %reshape3A_496 {strides = array<i32>} : memref<1x1xf32, #tpu.memory_space<vmem>>, vector<1x1xf32>,
    return
  }
}

</mosaic_0001>

<sc_bundles>
// kernel: kernel.5.cloned.1.call-start
scs
__scs_entry_jumppad:
0x0: {  	(pc) =	sbr.rel $0x88, $3  }
0x1: {  	(tag) =	ssettag $0x0;
	lr =	simm.s32 $0x1  }
0x2: {  	[smem:$0x3F9F] =	sst lr;
	_ =	strace $0xD0000000  }
0x3: {  	_ = 	snop  }
0x4: {  	_ = 	snop  }
0x5: {  	_ = 	snop  }
0x6: {  	_ = 	snop  }
0x7: {  	_ = 	snop  }
__scs_overlays_trampoline_lowered:
0x8: {  	[smem:$0x3FAE] =	sst s0  }
0x9: {  	[smem:$0x3FAF] =	sst s1  }
0xa: {  	[smem:$0x3FB0] =	sst s2  }
0xb: {  	[smem:$0x3FB1] =	sst s3  }
0xc: {  	[smem:$0x3FB2] =	sst s4  }
0xd: {  	[smem:$0x3FB3] =	sst s5  }
0xe: {  	[smem:$0x3FB4] =	sst s6  }
0xf: {  	[smem:$0x3FB5] =	sst s7  }
0x10: {  	[smem:$0x3FB6] =	sst s8  }
0x11: {  	[smem:$0x3FB7] =	sst s9;
	s0 =	simm.s32 @!p0 $0x0  }
0x12: {  	s1 =	sld [smem:$0x3F9D];
	s0 =	simm.s32 @p0 $0x1  }
0x13: {  	[smem:$0x3FB8] =	sst s0;
	s0 =	simm.s32 @!p1 $0x0  }
0x14: {  	s2 =	sld [smem:$0x3F9C];
	s0 =	simm.s32 @p1 $0x1  }
0x15: {  	[smem:$0x3FB9] =	sst s0;
	s0 =	simm.s32 @!p2 $0x0  }
0x16: {  	s3 =	sld [smem:$0x3FDB];
	s0 =	simm.s32 @p2 $0x1  }
0x17: {  	s4 =	simm.s32 $0x1BF5;
	[smem:$0x3FBB] =	sst s0  }
0x18: {  	s0 =	sld [smem:$0x3F9E];
	_ =	swait.ge [sflag:s4], $0x0  }
0x19: {  	s7 =	sld [smem:$0x3F9F]  }
0x1a: {  	s8 =	sadd.s32 $0xFFFFE003, lr  }
0x1b: {  	s9 =	sadd.s32 $0xFFFFFEF7, lr;
	s5 =	simm.s32 $0xFFFFFFFF;
	p2 =	slt.u32 s8, $0xFFFFF086  }
0x1c: {  	p1 =	slt.u32 s9, $0xF7A;
	s5 =	simm.s32 @!p2 $0x0  }
0x1d: {  	s5 =	simm.s32 @p1 $0x1;
	p0 =	seq.s32 s7, s2  }
0x1e: {  	s7 =	smul.u32 @!p0 $0xF7A, s2;
	p2 =	seq.s32 @!p0 s5, $0x0  }
0x1f: {  	s9 =	smul.u32 $0xF7A, s1;
	s8 =	simm.s32 @!p0 $0x1BF5;
	p2 =	por !p2, p0  }
0x20: {  	[sflag:s8] =	ssyncset.s32 @!p0 $0xFFFFF086;
	s6 =	sadd.s32 @!p0 s3, s7;
	s7 =	simm.s32 @!p0 $0x108  }
0x21: {  	s3 =	sadd.s32 s3, s9;
	s6 =	sadd.s32 @!p0 $0x88, s6;
	s7 =	simm.s32 @p2 $0x1082  }
0x22: {  	[simem:s7], [sflag:s8] =	dma.local @!p0 [hbm:s6], $0xF7A  }
0x23: {  	s9 =	sor.u32 $0xD0000000, s2;
	s6 =	simm.s32 $0x108;
	_ =	swait.ge @!p0 [sflag:s8], $0x0  }
0x24: {  	s3 =	sadd.s32 $0x88, s3;
	s6 =	simm.s32 @!p1 $0x1082;
	[sflag:s4] =	ssyncset.s32 $0xFFFFF086  }
0x25: {  	[simem:s6], [sflag:s4] =	dma.local [hbm:s3], $0xF7A  }
0x26: {  	[smem:$0x3F9F] =	sst s1;
	(tag) =	ssettag s2;
	_ =	strace s9  }
0x27: {  	s1 =	sld [smem:$0x3FAF]  }
0x28: {  	s2 =	sld [smem:$0x3FB0]  }
0x29: {  	s4 =	sld [smem:$0x3FB2]  }
0x2a: {  	p0 =	seq.s32 s5, $0x0;
	s5 =	sld [smem:$0x3FB3]  }
0x2b: {  	s6 =	sld [smem:$0x3FB4]  }
0x2c: {  	s7 =	sld [smem:$0x3FB5]  }
0x2d: {  	s3 =	simm.s32 $0x108;
	s8 =	sld [smem:$0x3FB6]  }
0x2e: {  	s3 =	simm.s32 @!p0 $0x1082;
	s9 =	sld [smem:$0x3FB7]  }
0x2f: {  	lr =	sadd.s32 s0, s3;
	s0 =	sld [smem:$0x3FAE]  }
0x30: {  	s3 =	sld [smem:$0x3FB1]  }
0x31: {  	[smem:$0x3FBA] =	sst s10  }
0x32: {  	s10 =	sld [smem:$0x3FB8];
	_ =	sdelay $0x3  }
0x33: {  	p0 =	seq.s32 s10, $0x1;
	s10 =	sld [smem:$0x3FBA];
	_ =	sdelay $0x3  }
0x34: {  	[smem:$0x3FBA] =	sst s10  }
0x35: {  	s10 =	sld [smem:$0x3FB9];
	_ =	sdelay $0x3  }
0x36: {  	p1 =	seq.s32 s10, $0x1;
	s10 =	sld [smem:$0x3FBA];
	_ =	sdelay $0x3  }
0x37: {  	[smem:$0x3FBA] =	sst s10  }
0x38: {  	s10 =	sld [smem:$0x3FBB]  }
0x39: {  	_ = 	snop;
	(pc) =	sbr.ind lr, $3  }
0x3a: {  	_ = 	snop  }
0x3b: {  	_ = 	snop  }
0x3c: {  	p2 =	seq.s32 s10, $0x1;
	s10 =	sld [smem:$0x3FBA]  }
0x3d: {  	_ =	shalt  }
0x3e: {  	_ =	shalt  }
0x3f: {  	_ =	shalt  }
0x40: {  	_ =	shalt  }
0x41: {  	_ =	shalt  }
0x42: {  	_ =	shalt  }
0x43: {  	_ =	shalt  }
0x44: {  	_ =	shalt  }
0x45: {  	_ =	shalt  }
0x46: {  	_ =	shalt  }
0x47: {  	_ =	shalt  }
0x48: {  	_ =	shalt  }
0x49: {  	_ =	shalt  }
0x4a: {  	_ =	shalt  }
0x4b: {  	_ =	shalt  }
0x4c: {  	_ =	shalt  }
0x4d: {  	_ =	shalt  }
0x4e: {  	_ =	shalt  }
0x4f: {  	_ =	shalt  }
0x50: {  	_ =	shalt  }
0x51: {  	_ =	shalt  }
0x52: {  	_ =	shalt  }
0x53: {  	_ =	shalt  }
0x54: {  	_ =	shalt  }
0x55: {  	_ =	shalt  }
0x56: {  	_ =	shalt  }
0x57: {  	_ =	shalt  }
0x58: {  	_ =	shalt  }
0x59: {  	_ =	shalt  }
0x5a: {  	_ =	shalt  }
0x5b: {  	_ =	shalt  }
0x5c: {  	_ =	shalt  }
0x5d: {  	_ =	shalt  }
0x5e: {  	_ =	shalt  }
0x5f: {  	_ =	shalt  }
0x60: {  	_ =	shalt  }
0x61: {  	_ =	shalt  }
0x62: {  	_ =	shalt  }
0x63: {  	_ =	shalt  }
0x64: {  	_ =	shalt  }
0x65: {  	_ =	shalt  }
0x66: {  	_ =	shalt  }
0x67: {  	_ =	shalt  }
0x68: {  	_ =	shalt  }
0x69: {  	_ =	shalt  }
0x6a: {  	_ =	shalt  }
0x6b: {  	_ =	shalt  }
0x6c: {  	_ =	shalt  }
0x6d: {  	_ =	shalt  }
0x6e: {  	_ =	shalt  }
0x6f: {  	_ =	shalt  }
0x70: {  	_ =	shalt  }
0x71: {  	_ =	shalt  }
0x72: {  	_ =	shalt  }
0x73: {  	_ =	shalt  }
0x74: {  	_ =	shalt  }
0x75: {  	_ =	shalt  }
0x76: {  	_ =	shalt  }
0x77: {  	_ =	shalt  }
0x78: {  	_ =	shalt  }
0x79: {  	_ =	shalt  }
0x7a: {  	_ =	shalt  }
0x7b: {  	_ =	shalt  }
0x7c: {  	_ =	shalt  }
0x7d: {  	_ =	shalt  }
0x7e: {  	_ =	shalt  }
0x7f: {  	_ =	shalt  }
0x80: {  	_ =	shalt  }
0x81: {  	_ =	shalt  }
0x82: {  	_ =	shalt  }
0x83: {  	_ =	shalt  }
0x84: {  	_ =	shalt  }
0x85: {  	_ =	shalt  }
0x86: {  	_ =	shalt  }
0x87: {  	_ =	shalt  }
.Lfunc_end0:
.L_simem_size_0:
called_computation_lowered:
.L_overlay_start_0:
0x88: {  	s2 =	sld [smem:$0x3FD9]  }
0x89: {  	s3 =	sld [smem:$0x3FFE];
	_ =	sdelay $0x1  }
0x8a: {  	s1 =	srdreg.scid  }
0x8b: {  	s0 =	sand.u32 $0x1, s1  }
0x8c: {  	s16 =	sshll.u32 s0, $0xA;
	s2 =	sadd.s32 s3, s2  }
0x8d: {  	s2 =	sadd.s32 s2, s16  }
0x8e: {  	[smem:$0x3FC6] =	sst s2  }
0x8f: {  	_ = 	snop  }
0x90: {  	(tm) =	ssettm $0x1  }
0x91: {  	s17 =	sld [smem:$0x3FFB];
	_ =	sdelay $0x3  }
0x92: {  	_ =	strace s17  }
0x93: {  	s2 =	sld [smem:$0x3FFC];
	_ =	sdelay $0x3  }
0x94: {  	_ =	strace s2  }
0x95: {  	s2 =	sld [smem:$0x3FFD];
	_ =	sdelay $0x3  }
0x96: {  	_ =	strace s2  }
0x97: {  	_ =	strace $0x8FFFFFFF  }
0x98: {  	s18 =	sld [smem:$0x3FDB];
	_ =	sdelay $0x1  }
0x99: {  	s19 =	simm.s32 $_scs_section_size  }
0x9a: {  	s4 =	simm.s32 $_size__tile_overlayer_lowered;
	s5 =	simm.s32 $_tile_overlayer_lowered  }
0x9b: {  	s22 =	simm.s32 $0x1BFF;
	s21 =	sshll.u32 s5, $0x1;
	s2 =	sadd.s32 s19, s18  }
0x9c: {  	s6 =	simm.s32 $0x0;
	s20 =	sshll.u32 s4, $0x1;
	s4 =	sadd.s32 s21, s2  }
0x9d: {  	[timem:s6], [sflag:s22] =	dma.local [hbm:s4], s20  }
0x9e: {  	_ =	swait.ge [sflag:s22], s20  }
0x9f: {  	s3 =	ssub.s32 $0x0, s20;
	[sflag:s22] =	ssyncset.done $0x0  }
0xa0: {  	[sflag:s22] =	ssyncadd.s32 s3;
	_ =	sdelay $0x1  }
0xa1: {  	s23 =	simm.s32 $0x1B8B  }
0xa2: {  	_ =	swait.ge [sflag:s23], $0x1  }
0xa3: {  	[sflag:s23] =	ssyncset.done $0x0  }
0xa4: {  	s25 =	simm.s32 $0x1B8E;
	s24 =	sld [smem:$0x3FFE];
	[sflag:s23] =	ssyncadd.s32 $0xFFFFFFFF  }
0xa5: {  	s26 =	simm.s32 $execute0_lowered;
	[smem:$0x3FD2] =	sst s25  }
0xa6: {  	s4 =	sshll.u32 s26, $0x1;
	_ =	strace $0x80000046;
	[dreg:$0x1] =	wrdreg $0xFFFFFFFF  }
0xa7: {  	s28 =	simm.s32 $_size_execute0_lowered;
	s2 =	sadd.s32 s2, s4;
	[dreg:$0x0] =	wrdreg $0x0  }
0xa8: {  	s4 =	sshll.u32 s28, $0x1;
	[dreg:$0x2] =	wrdreg s2  }
0xa9: {  	[dreg:$0x3] =	wrdreg s4  }
0xaa: {  	[dreg:$0x4] =	wrdreg $0xC0  }
0xab: {  	_ =	task [dreg:s6], $0x5FFFF  }
0xac: {  	[dreg:$0x1] =	wrdreg $0xFFFFFFFF  }
0xad: {  	[dreg:$0x0] =	wrdreg $0x60  }
0xae: {  	[dreg:$0x2] =	wrdreg s24  }
0xaf: {  	[dreg:$0x3] =	wrdreg $0x9  }
0xb0: {  	_ =	task.clear_ibuf [dreg:s6], $0x4FFFF;
	_ =	strace $0x90000046  }
0xb1: {  	s29 =	simm.s32 $0x9;
	_ =	strace $0x8000004D  }
0xb2: {  	_ =	swait.ge [sflag:s29], $0x1  }
0xb3: {  	[sflag:s29] =	ssyncadd.s32 $0xFFFFFFFF  }
0xb4: {  	_ =	strace $0x9000004D  }
0xb5: {  	_ =	sfence  }
0xb6: {  	s30 =	sld [smem:$0x0];
	_ =	sdelay $0x2  }
0xb7: {  	s31 =	sshll.u32 s1, $0xD;
	s1 =	sshrl.u32 s1, $0x2  }
0xb8: {  	s3 =	sand.u32 $0x4000, s31;
	s1 =	sadd.s32 s1, s30  }
0xb9: {  	s0 =	sor.u32 s3, s0;
	s1 =	sshll.u32 s1, $0x11  }
0xba: {  	s0 =	sor.u32 s1, s0  }
0xbb: {  	s0 =	sadd.s32 $0x8F2B, s0  }
0xbc: {  	[sflag:s0] =	ssyncadd.remote.s32 $0x1  }
0xbd: {  	_ =	sfence.sel $0xFFFF  }
0xbe: {  	[dreg:$0x0] =	wrdreg $0xFFFFFFFF;
	(pc) =	sbr.abs _section_cstart, $3  }
0xbf: {  	[dreg:$0x1] =	wrdreg $0xFFFFFFFF  }
0xc0: {  	_ =	task.clear_ibuf [dreg:s6], $0x2FFFF;
	_ =	strace $0x9FFFFFFF  }
0xc1: {  	(tm) =	ssettm $0x7FFFFFFF  }
tec
execute0_lowered:
.L_overlay_start_1:
0x0: {  	(tag) =	ssettag $0x1  }
0x1: {  	s0 =	srdreg.scid  }
0x2: {  	s9 =	sand.u32 $0x1, s0  }
0x3: {  	s1 =	stileid.u32;
	s2 =	sshll.u32 s9, $0x4  }
0x4: {  	s10 =	rddreg [dreg:$0x0];
	s3 =	sshll.u32 s1, $0x4;
	s11 =	sor.u32 s1, s2  }
0x5: {  	s3 =	sand.u32 $0x70, s3;
	s2 =	simm.s32 $0x0;
	s4 =	sshll.u32 s11, $0x4  }
0x6: {  	s3 =	sadd.s32 s3, s10;
	[smem:$0x7FF] =	sst s2;
	s4 =	sand.u32 $0x180, s4  }
0x7: {  	s0 =	rddreg [dreg:$0x1];
	_ =	strace $0x80000047;
	s3 =	sadd.s32 s4, s3  }
0x8: {  	_ =	strace $0x80000048;
	s3 =	sadd.s32 $0x80A00, s3  }
0x9: {  	[tilespmem:s2], [sflag:$0x1] =	stream.linear.gather [hbm4b:s3+s2], $0x80, $0x200038;
	[tilespmem:$0x5100] =	vst v63  }
0xa: {  	_ =	strace $0x90000048  }
0xb: {  	s4 =	simm.s32 $0x1;
	_ =	strace $0x80000049  }
0xc: {  	_ =	swait.ge [sflag:s4], $0x80  }
0xd: {  	[sflag:s4] =	ssyncset.done $0x0  }
0xe: {  	[sflag:s4] =	ssyncadd.s32 $0xFFFFFF80  }
0xf: {  	s6 =	simm.s32 $0x50;
	s7 =	simm.s32 $0x100;
	_ =	strace $0x90000049  }
0x10: {  	s8 =	simm.s32 $0x5;
	s5 =	sadd.s32 $0xA00, s10;
	_ =	strace $0x8000004A  }
0x11: {  	[tilespmem:s7], [sflag:$0x5] =	stream.indirect.gather [hbm4b:s5+s6], $0x80, s2, s6, $0x2000b8;
	[tilespmem:$0x5100] =	vst v63  }
0x12: {  	s30 =	ssub.s32 $0x2, s9;
	s11 =	smul.u32 $0x500, s11;
	_ =	swait.ge [sflag:s8], $0x2800  }
0x13: {  	s31 =	sshrl.u32 s30, $0x1;
	[sflag:s8] =	ssyncset.done $0x0  }
0x14: {  	s10 =	sadd.s32 s11, s10;
	s11 =	ssub.s32 s30, s31;
	[sflag:s8] =	ssyncadd.s32 $0xFFFFD800  }
0x15: {  	s11 =	smax.u32 s11, $0x1;
	_ =	strace $0x9000004A  }
0x16: {  	s9 =	sadd.s32 $0x80C00, s10;
	p0 =	sne.s32 s11, $0x1;
	_ =	strace $0x8000004B  }
0x17: {  	[hbm4b:s9+s2] =	stream.linear.scatter [tilespmem:s7], [sflag:$0x3], $0x2800, $0x200038;
	[tilespmem:$0x5100] =	vst v63  }
.Ltmp0:
0x18: {  	_ =	strace $0x9000004B;
	(pc) =	sbr.rel @!p0 .LBB2_2-.Ltmp0, $4  }
0x19: {  	s10 =	simm.s32 $0x3;
	_ =	strace $0x8000004C  }
0x1a: {  	_ =	swait.ge [sflag:s10], $0x2800  }
0x1b: {  	[sflag:s10] =	ssyncset.done $0x0  }
0x1c: {  	s11 =	sadd.s32 $0xFFFFFFFF, s11;
	[sflag:s10] =	ssyncadd.s32 $0xFFFFD800  }
.LBB2_1:
0x1d: {  	p0 =	sne.s32 s11, $0x1;
	s11 =	sadd.s32 $0xFFFFFFFF, s11;
	_ =	strace $0x9000004C  }
0x1e: {  	_ =	strace $0x80000048  }
0x1f: {  	[tilespmem:s2], [sflag:$0x1] =	stream.linear.gather [hbm4b:s3+s2], $0x80, $0x200038;
	[tilespmem:$0x5100] =	vst v63  }
0x20: {  	_ =	strace $0x90000048  }
0x21: {  	_ =	strace $0x80000049  }
0x22: {  	_ =	swait.ge [sflag:s4], $0x80  }
0x23: {  	[sflag:s4] =	ssyncset.done $0x0  }
0x24: {  	[sflag:s4] =	ssyncadd.s32 $0xFFFFFF80  }
0x25: {  	_ =	strace $0x90000049  }
0x26: {  	_ =	strace $0x8000004A  }
0x27: {  	[tilespmem:s7], [sflag:$0x5] =	stream.indirect.gather [hbm4b:s5+s6], $0x80, s2, s6, $0x2000b8;
	[tilespmem:$0x5100] =	vst v63  }
0x28: {  	_ =	swait.ge [sflag:s8], $0x2800  }
0x29: {  	[sflag:s8] =	ssyncset.done $0x0  }
0x2a: {  	[sflag:s8] =	ssyncadd.s32 $0xFFFFD800  }
0x2b: {  	_ =	strace $0x9000004A  }
0x2c: {  	_ =	strace $0x8000004B  }
0x2d: {  	[hbm4b:s9+s2] =	stream.linear.scatter [tilespmem:s7], [sflag:$0x3], $0x2800, $0x200038;
	[tilespmem:$0x5100] =	vst v63  }
.Ltmp1:
0x2e: {  	_ =	strace $0x9000004B;
	(pc) =	sbr.rel @p0 .LBB2_1-.Ltmp1, $4  }
0x2f: {  	_ =	strace $0x8000004C  }
0x30: {  	_ =	swait.ge [sflag:s10], $0x2800  }
0x31: {  	[sflag:s10] =	ssyncset.done $0x0  }
0x32: {  	[sflag:s10] =	ssyncadd.s32 $0xFFFFD800  }
.LBB2_2:
0x33: {  	_ =	strace $0x9000004C  }
0x34: {  	_ =	sfence.sel $0x180000  }
0x35: {  	[bflag:$0x0] =	sbarrier.arrive $0xFFFF  }
0x36: {  	p0 =	sne.s32 s1, $0x0;
	_ =	strace $0x90000047  }
0x37: {  	s0 =	sadd.s32 @!p0 $0x100000, s0;
	[bflag:$0x2] =	sbarrier.arrive $0xFFFF  }
0x38: {  	[sflag:s0] =	ssyncadd.tile.s32 @!p0 $0x1;
	_ =	shalt  }
.Lfunc_end2:
_tile_overlayer_lowered:
.L_overlay_start_2:
0x39: {  	(tag) =	ssettag $0x2  }
0x3a: {  	s0 =	rddreg [dreg:$0x0];
	s2 =	stileid.u32  }
0x3b: {  	s1 =	rddreg [dreg:$0x1];
	p0 =	sne.s32 s2, $0x0  }
0x3c: {  	s3 =	rddreg [dreg:$0x2];
	[bflag:$0x3] =	sbarrier.arrive $0xFFFF;
	s2 =	simm.s32 @!p0 $0x1C01  }
0x3d: {  	[timem:s3], [sflag:s2] =	dma.local @!p0 [hbm:s0], s1  }
0x3e: {  	s0 =	simm.s32 @!p0 $0x1  }
0x3f: {  	_ =	swait.ge @!p0 [sflag:s0], s1  }
0x40: {  	s1 =	ssub.s32 @!p0 $0x0, s1;
	[sflag:s0] =	ssyncset.done @!p0 $0x0  }
0x41: {  	[sflag:s0] =	ssyncadd.s32 @!p0 s1  }
0x42: {  	[bflag:$0x3] =	sbarrier.arrive $0xFFFF  }
0x43: {  	_ =	shalt  }

</sc_bundles>
